<compile_context>
chip_gen: v7x
topology: tpu7x:2x2x1
jax: 0.10.2.dev20260603
libtpu: 0.0.44.dev20260713+nightly
codegen_flags: <defaults>
</compile_context>

<pallas_src>
import functools

import jax
import jax.numpy as jnp
from jax import lax
from jax.experimental import pallas as pl
from jax.experimental.pallas import tpu as pltpu
from jax.experimental.pallas import tpu_sc as plsc

_NUM_EMBEDDINGS = 1000000
_FEATURES = 64
_ROWS, _COLS = 16384, 50
_FLAT = _ROWS * _COLS

_NC = 2
_NS = 16
_NW = _NC * _NS
_CHUNK = 128
_NCHUNK = _FLAT // _CHUNK // _NW
_NB = 8
_NSB = 4
_NG = _NCHUNK // _NB

_mesh = plsc.VectorSubcoreMesh(core_axis_name="c", subcore_axis_name="s")


@functools.partial(
    pl.kernel,
    mesh=_mesh,
    out_type=jax.ShapeDtypeStruct((_FLAT, _FEATURES), jnp.float32),
    scratch_types=[
        pltpu.VMEM((_NCHUNK, _CHUNK), jnp.int32),
        [pltpu.VMEM((_CHUNK, _FEATURES), jnp.float32) for _ in range(_NB)],
        pltpu.VMEM_SHARED((_NS, _NSB, _CHUNK, _FEATURES), jnp.float32),
        pltpu.SemaphoreType.DMA,
        [pltpu.SemaphoreType.DMA for _ in range(_NB)],
        [pltpu.SemaphoreType.DMA for _ in range(_NSB)],
        [pltpu.SemaphoreType.DMA for _ in range(_NSB)],
    ],
    compiler_params=pltpu.CompilerParams(use_tc_tiling_on_sc=False),
)
def _embed_sc(tok_hbm, table_hbm, out_hbm, idx, bufs, spmem, isem, gsems,
              lsems, wsems):
    sid = lax.axis_index("s")
    wid = sid * _NC + lax.axis_index("c")
    ibase = wid * _NCHUNK
    obase = wid * _NCHUNK * _CHUNK

    pltpu.async_copy(tok_hbm.at[pl.ds(ibase, _NCHUNK)], idx, isem)
    pltpu.make_async_copy(tok_hbm.at[pl.ds(ibase, _NCHUNK)], idx, isem).wait()

    def fire_gather(j, b):
        pltpu.async_copy(table_hbm.at[idx.at[j]], bufs[b], gsems[b])

    def drain_gather(b):
        pltpu.make_async_copy(
            table_hbm.at[idx.at[0]], bufs[b], gsems[b]).wait()

    def fire_local(b, sb):
        pltpu.async_copy(bufs[b], spmem.at[sid, sb], lsems[sb])

    def drain_local(b, sb):
        pltpu.make_async_copy(bufs[b], spmem.at[sid, sb], lsems[sb]).wait()

    def fire_write(j, sb):
        pltpu.async_copy(
            spmem.at[sid, sb],
            out_hbm.at[pl.ds(obase + j * _CHUNK, _CHUNK)], wsems[sb])

    def drain_write(sb):
        pltpu.make_async_copy(
            spmem.at[sid, sb], out_hbm.at[pl.ds(obase, _CHUNK)],
            wsems[sb]).wait()

    for b in range(_NB):
        fire_gather(b, b)

    def body(i, _):
        j0 = i * _NB
        for b in range(_NB):
            sb = b % _NSB
            drain_gather(b)

            if b >= _NSB:
                drain_write(sb)
            else:

                @pl.when(i > 0)
                def _():
                    drain_write(sb)

            fire_local(b, sb)
            drain_local(b, sb)
            fire_write(j0 + b, sb)

            @pl.when(i < _NG - 1)
            def _():
                fire_gather(j0 + _NB + b, b)

        return 0

    lax.fori_loop(0, _NG, body, 0)
    for sb in range(_NSB):
        drain_write(sb)


def kernel(tokens, embedding):
    tok_flat = tokens.astype(jnp.int32).reshape(_FLAT // _CHUNK, _CHUNK)
    out = _embed_sc(tok_flat, embedding)
    return out.reshape(_ROWS, _COLS, _FEATURES)

# --- scband reference (transcript-rebuilt; emitter-appended) ---
"""Pipeline reference for scband-embed-8581344658081 (READ-ONLY COPY).

The authoritative reference and input builder live on the scoring server;
editing this copy changes nothing except your own understanding.
"""

import jax, jax.numpy as jnp
import numpy as np

NUM_EMBEDDINGS = 1000000
FEATURES = 64
INIT_RANGE = 0.02

def setup_inputs(seed: int = 0) -> dict:
    key = jax.random.key(seed)
    k_tok, k_emb = jax.random.split(key)
    tokens = jax.random.randint(k_tok, (16384, 50), 0, NUM_EMBEDDINGS, dtype=jnp.int64 if jax.config.read('jax_enable_x64') else jnp.int32)
    embedding = jax.random.normal(k_emb, (NUM_EMBEDDINGS, FEATURES), dtype=jnp.float32) * INIT_RANGE
    return {"tokens": tokens, "embedding": embedding}

def reference(tokens, embedding):
    # Faithful translation of Embed.__call__: jnp.take(self.embedding, tokens, axis=0)
    return jnp.take(embedding, tokens, axis=0)

if __name__ == "__main__":
    import jax
    _d = setup_inputs()
    print(jax.jit(kernel)(*tuple(_d.values())))

</pallas_src>

<mosaic_0001>
#map = affine_map<(d0, d1) -> (0, 0)>
module attributes {stable_mosaic.version = 14 : i64} {
  func.func @_embed_sc(%arg0: i32, %arg1: i32, %arg2: memref<6400x128xi32, #tpu.memory_space<hbm>>, %arg3: memref<1000000x64xf32, #tpu.memory_space<hbm>>, %arg4: memref<819200x64xf32, #tpu.memory_space<hbm>>, %arg5: memref<200x128xi32, #tpu.memory_space<vmem>>, %arg6: memref<128x64xf32, #tpu.memory_space<vmem>>, %arg7: memref<128x64xf32, #tpu.memory_space<vmem>>, %arg8: memref<128x64xf32, #tpu.memory_space<vmem>>, %arg9: memref<128x64xf32, #tpu.memory_space<vmem>>, %arg10: memref<128x64xf32, #tpu.memory_space<vmem>>, %arg11: memref<128x64xf32, #tpu.memory_space<vmem>>, %arg12: memref<128x64xf32, #tpu.memory_space<vmem>>, %arg13: memref<128x64xf32, #tpu.memory_space<vmem>>, %arg14: memref<16x4x128x64xf32, #tpu.memory_space<vmem_shared>>, %arg15: memref<!tpu.dma_semaphore, #tpu.memory_space<semaphore_mem>>, %arg16: memref<!tpu.dma_semaphore, #tpu.memory_space<semaphore_mem>>, %arg17: memref<!tpu.dma_semaphore, #tpu.memory_space<semaphore_mem>>, %arg18: memref<!tpu.dma_semaphore, #tpu.memory_space<semaphore_mem>>, %arg19: memref<!tpu.dma_semaphore, #tpu.memory_space<semaphore_mem>>, %arg20: memref<!tpu.dma_semaphore, #tpu.memory_space<semaphore_mem>>, %arg21: memref<!tpu.dma_semaphore, #tpu.memory_space<semaphore_mem>>, %arg22: memref<!tpu.dma_semaphore, #tpu.memory_space<semaphore_mem>>, %arg23: memref<!tpu.dma_semaphore, #tpu.memory_space<semaphore_mem>>, %arg24: memref<!tpu.dma_semaphore, #tpu.memory_space<semaphore_mem>>, %arg25: memref<!tpu.dma_semaphore, #tpu.memory_space<semaphore_mem>>, %arg26: memref<!tpu.dma_semaphore, #tpu.memory_space<semaphore_mem>>, %arg27: memref<!tpu.dma_semaphore, #tpu.memory_space<semaphore_mem>>, %arg28: memref<!tpu.dma_semaphore, #tpu.memory_space<semaphore_mem>>, %arg29: memref<!tpu.dma_semaphore, #tpu.memory_space<semaphore_mem>>, %arg30: memref<!tpu.dma_semaphore, #tpu.memory_space<semaphore_mem>>, %arg31: memref<!tpu.dma_semaphore, #tpu.memory_space<semaphore_mem>>) attributes {dimension_semantics = [#tpu.dimension_semantics<core_parallel>, #tpu.dimension_semantics<subcore_parallel>], iteration_bounds = array<i64: 2, 16>, scalar_prefetch = 0 : i64, scratch_operands = 27 : i64, tpu.core_type = #tpu.core_type<sc_vector_subcore>, window_params = [{transform_indices = #map}, {transform_indices = #map}, {transform_indices = #map}]} {
    %mul3A = arith.constant 2 : i32
    %mul3A_0 = arith.muli %arg1, %mul3A : i32
    %add3A = arith.addi %mul3A_0, %arg0 : i32
    %mul3A_1 = arith.constant 200 : i32
    %mul3A_2 = arith.muli %add3A, %mul3A_1 : i32
    %mul3A_3 = arith.constant 200 : i32
    %mul3A_4 = arith.muli %add3A, %mul3A_3 : i32
    %mul3A_5 = arith.constant 128 : i32
    %mul3A_6 = arith.muli %mul3A_4, %mul3A_5 : i32
    %dma_start3A = arith.constant 0 : i32
    %dma_start3A_7 = tpu.memref_slice %arg2[%mul3A_2, %dma_start3A] : memref<6400x128xi32, #tpu.memory_space<hbm>> -> memref<200x128xi32, #tpu.memory_space<hbm>>
    %dma_start3A_8 = arith.constant 0 : i32
    %dma_start3A_9 = tpu.memref_slice %arg2[%mul3A_2, %dma_start3A_8] : memref<6400x128xi32, #tpu.memory_space<hbm>> -> memref<200x128xi32, #tpu.memory_space<hbm>>
    tpu.enqueue_dma source(%dma_start3A_9 : memref<200x128xi32, #tpu.memory_space<hbm>>) target(%arg5 : memref<200x128xi32, #tpu.memory_space<vmem>>) target_semaphore(%arg15 : memref<!tpu.dma_semaphore, #tpu.memory_space<semaphore_mem>>)
    %dma_wait3A = arith.constant 0 : i32
    %dma_wait3A_10 = tpu.memref_slice %arg2[%mul3A_2, %dma_wait3A] : memref<6400x128xi32, #tpu.memory_space<hbm>> -> memref<200x128xi32, #tpu.memory_space<hbm>>
    %dma_wait3A_11 = arith.constant 0 : i32
    %dma_wait3A_12 = tpu.memref_slice %arg2[%mul3A_2, %dma_wait3A_11] : memref<6400x128xi32, #tpu.memory_space<hbm>> -> memref<200x128xi32, #tpu.memory_space<hbm>>
    tpu.wait_dma2 semaphore(%arg15 : memref<!tpu.dma_semaphore, #tpu.memory_space<semaphore_mem>>) src(%dma_wait3A_12 : memref<200x128xi32, #tpu.memory_space<hbm>>) dst(%arg5 : memref<200x128xi32, #tpu.memory_space<vmem>>)
    %dma_start3A_13 = arith.constant 0 : i32
    %dma_start3A_14 = arith.constant 0 : i32
    %dma_start3A_15 = tpu.memref_slice %arg5[%dma_start3A_13, %dma_start3A_14] : memref<200x128xi32, #tpu.memory_space<vmem>> -> memref<1x128xi32, #tpu.memory_space<vmem>>
    %dma_start3A_16 = tpu.memref_squeeze %dma_start3A_15 : memref<1x128xi32, #tpu.memory_space<vmem>> -> memref<128xi32, #tpu.memory_space<vmem>>
    %dma_start3A_17 = arith.constant 0 : i32
    %dma_start3A_18 = arith.constant 0 : i32
    %dma_start3A_19 = tpu.memref_slice %arg3[%dma_start3A_17, %dma_start3A_18] : memref<1000000x64xf32, #tpu.memory_space<hbm>> -> memref<1000000x64xf32, #tpu.memory_space<hbm>>
    tpu.enqueue_indirect_dma source(%dma_start3A_19 : memref<1000000x64xf32, #tpu.memory_space<hbm>>) target(%arg6 : memref<128x64xf32, #tpu.memory_space<vmem>>) offsets(%dma_start3A_16 : memref<128xi32, #tpu.memory_space<vmem>>) semaphore(%arg16 : memref<!tpu.dma_semaphore, #tpu.memory_space<semaphore_mem>>)
    %dma_start3A_20 = arith.constant 1 : i32
    %dma_start3A_21 = arith.constant 0 : i32
    %dma_start3A_22 = tpu.memref_slice %arg5[%dma_start3A_20, %dma_start3A_21] : memref<200x128xi32, #tpu.memory_space<vmem>> -> memref<1x128xi32, #tpu.memory_space<vmem>>
    %dma_start3A_23 = tpu.memref_squeeze %dma_start3A_22 : memref<1x128xi32, #tpu.memory_space<vmem>> -> memref<128xi32, #tpu.memory_space<vmem>>
    %dma_start3A_24 = arith.constant 0 : i32
    %dma_start3A_25 = arith.constant 0 : i32
    %dma_start3A_26 = tpu.memref_slice %arg3[%dma_start3A_24, %dma_start3A_25] : memref<1000000x64xf32, #tpu.memory_space<hbm>> -> memref<1000000x64xf32, #tpu.memory_space<hbm>>
    tpu.enqueue_indirect_dma source(%dma_start3A_26 : memref<1000000x64xf32, #tpu.memory_space<hbm>>) target(%arg7 : memref<128x64xf32, #tpu.memory_space<vmem>>) offsets(%dma_start3A_23 : memref<128xi32, #tpu.memory_space<vmem>>) semaphore(%arg17 : memref<!tpu.dma_semaphore, #tpu.memory_space<semaphore_mem>>)
    %dma_start3A_27 = arith.constant 2 : i32
    %dma_start3A_28 = arith.constant 0 : i32
    %dma_start3A_29 = tpu.memref_slice %arg5[%dma_start3A_27, %dma_start3A_28] : memref<200x128xi32, #tpu.memory_space<vmem>> -> memref<1x128xi32, #tpu.memory_space<vmem>>
    %dma_start3A_30 = tpu.memref_squeeze %dma_start3A_29 : memref<1x128xi32, #tpu.memory_space<vmem>> -> memref<128xi32, #tpu.memory_space<vmem>>
    %dma_start3A_31 = arith.constant 0 : i32
    %dma_start3A_32 = arith.constant 0 : i32
    %dma_start3A_33 = tpu.memref_slice %arg3[%dma_start3A_31, %dma_start3A_32] : memref<1000000x64xf32, #tpu.memory_space<hbm>> -> memref<1000000x64xf32, #tpu.memory_space<hbm>>
    tpu.enqueue_indirect_dma source(%dma_start3A_33 : memref<1000000x64xf32, #tpu.memory_space<hbm>>) target(%arg8 : memref<128x64xf32, #tpu.memory_space<vmem>>) offsets(%dma_start3A_30 : memref<128xi32, #tpu.memory_space<vmem>>) semaphore(%arg18 : memref<!tpu.dma_semaphore, #tpu.memory_space<semaphore_mem>>)
    %dma_start3A_34 = arith.constant 3 : i32
    %dma_start3A_35 = arith.constant 0 : i32
    %dma_start3A_36 = tpu.memref_slice %arg5[%dma_start3A_34, %dma_start3A_35] : memref<200x128xi32, #tpu.memory_space<vmem>> -> memref<1x128xi32, #tpu.memory_space<vmem>>
    %dma_start3A_37 = tpu.memref_squeeze %dma_start3A_36 : memref<1x128xi32, #tpu.memory_space<vmem>> -> memref<128xi32, #tpu.memory_space<vmem>>
    %dma_start3A_38 = arith.constant 0 : i32
    %dma_start3A_39 = arith.constant 0 : i32
    %dma_start3A_40 = tpu.memref_slice %arg3[%dma_start3A_38, %dma_start3A_39] : memref<1000000x64xf32, #tpu.memory_space<hbm>> -> memref<1000000x64xf32, #tpu.memory_space<hbm>>
    tpu.enqueue_indirect_dma source(%dma_start3A_40 : memref<1000000x64xf32, #tpu.memory_space<hbm>>) target(%arg9 : memref<128x64xf32, #tpu.memory_space<vmem>>) offsets(%dma_start3A_37 : memref<128xi32, #tpu.memory_space<vmem>>) semaphore(%arg19 : memref<!tpu.dma_semaphore, #tpu.memory_space<semaphore_mem>>)
    %dma_start3A_41 = arith.constant 4 : i32
    %dma_start3A_42 = arith.constant 0 : i32
    %dma_start3A_43 = tpu.memref_slice %arg5[%dma_start3A_41, %dma_start3A_42] : memref<200x128xi32, #tpu.memory_space<vmem>> -> memref<1x128xi32, #tpu.memory_space<vmem>>
    %dma_start3A_44 = tpu.memref_squeeze %dma_start3A_43 : memref<1x128xi32, #tpu.memory_space<vmem>> -> memref<128xi32, #tpu.memory_space<vmem>>
    %dma_start3A_45 = arith.constant 0 : i32
    %dma_start3A_46 = arith.constant 0 : i32
    %dma_start3A_47 = tpu.memref_slice %arg3[%dma_start3A_45, %dma_start3A_46] : memref<1000000x64xf32, #tpu.memory_space<hbm>> -> memref<1000000x64xf32, #tpu.memory_space<hbm>>
    tpu.enqueue_indirect_dma source(%dma_start3A_47 : memref<1000000x64xf32, #tpu.memory_space<hbm>>) target(%arg10 : memref<128x64xf32, #tpu.memory_space<vmem>>) offsets(%dma_start3A_44 : memref<128xi32, #tpu.memory_space<vmem>>) semaphore(%arg20 : memref<!tpu.dma_semaphore, #tpu.memory_space<semaphore_mem>>)
    %dma_start3A_48 = arith.constant 5 : i32
    %dma_start3A_49 = arith.constant 0 : i32
    %dma_start3A_50 = tpu.memref_slice %arg5[%dma_start3A_48, %dma_start3A_49] : memref<200x128xi32, #tpu.memory_space<vmem>> -> memref<1x128xi32, #tpu.memory_space<vmem>>
    %dma_start3A_51 = tpu.memref_squeeze %dma_start3A_50 : memref<1x128xi32, #tpu.memory_space<vmem>> -> memref<128xi32, #tpu.memory_space<vmem>>
    %dma_start3A_52 = arith.constant 0 : i32
    %dma_start3A_53 = arith.constant 0 : i32
    %dma_start3A_54 = tpu.memref_slice %arg3[%dma_start3A_52, %dma_start3A_53] : memref<1000000x64xf32, #tpu.memory_space<hbm>> -> memref<1000000x64xf32, #tpu.memory_space<hbm>>
    tpu.enqueue_indirect_dma source(%dma_start3A_54 : memref<1000000x64xf32, #tpu.memory_space<hbm>>) target(%arg11 : memref<128x64xf32, #tpu.memory_space<vmem>>) offsets(%dma_start3A_51 : memref<128xi32, #tpu.memory_space<vmem>>) semaphore(%arg21 : memref<!tpu.dma_semaphore, #tpu.memory_space<semaphore_mem>>)
    %dma_start3A_55 = arith.constant 6 : i32
    %dma_start3A_56 = arith.constant 0 : i32
    %dma_start3A_57 = tpu.memref_slice %arg5[%dma_start3A_55, %dma_start3A_56] : memref<200x128xi32, #tpu.memory_space<vmem>> -> memref<1x128xi32, #tpu.memory_space<vmem>>
    %dma_start3A_58 = tpu.memref_squeeze %dma_start3A_57 : memref<1x128xi32, #tpu.memory_space<vmem>> -> memref<128xi32, #tpu.memory_space<vmem>>
    %dma_start3A_59 = arith.constant 0 : i32
    %dma_start3A_60 = arith.constant 0 : i32
    %dma_start3A_61 = tpu.memref_slice %arg3[%dma_start3A_59, %dma_start3A_60] : memref<1000000x64xf32, #tpu.memory_space<hbm>> -> memref<1000000x64xf32, #tpu.memory_space<hbm>>
    tpu.enqueue_indirect_dma source(%dma_start3A_61 : memref<1000000x64xf32, #tpu.memory_space<hbm>>) target(%arg12 : memref<128x64xf32, #tpu.memory_space<vmem>>) offsets(%dma_start3A_58 : memref<128xi32, #tpu.memory_space<vmem>>) semaphore(%arg22 : memref<!tpu.dma_semaphore, #tpu.memory_space<semaphore_mem>>)
    %dma_start3A_62 = arith.constant 7 : i32
    %dma_start3A_63 = arith.constant 0 : i32
    %dma_start3A_64 = tpu.memref_slice %arg5[%dma_start3A_62, %dma_start3A_63] : memref<200x128xi32, #tpu.memory_space<vmem>> -> memref<1x128xi32, #tpu.memory_space<vmem>>
    %dma_start3A_65 = tpu.memref_squeeze %dma_start3A_64 : memref<1x128xi32, #tpu.memory_space<vmem>> -> memref<128xi32, #tpu.memory_space<vmem>>
    %dma_start3A_66 = arith.constant 0 : i32
    %dma_start3A_67 = arith.constant 0 : i32
    %dma_start3A_68 = tpu.memref_slice %arg3[%dma_start3A_66, %dma_start3A_67] : memref<1000000x64xf32, #tpu.memory_space<hbm>> -> memref<1000000x64xf32, #tpu.memory_space<hbm>>
    tpu.enqueue_indirect_dma source(%dma_start3A_68 : memref<1000000x64xf32, #tpu.memory_space<hbm>>) target(%arg13 : memref<128x64xf32, #tpu.memory_space<vmem>>) offsets(%dma_start3A_65 : memref<128xi32, #tpu.memory_space<vmem>>) semaphore(%arg23 : memref<!tpu.dma_semaphore, #tpu.memory_space<semaphore_mem>>)
    %scan3A = arith.constant 0 : i32
    %scan3A_69 = arith.constant 0 : i32
    %scan3A_70 = arith.constant 25 : i32
    %scan3A_71 = arith.addi %scan3A_69, %scan3A_70 : i32
    %scan3A_72 = arith.constant 1 : i32
    %scan3A_73 = scf.for %scan3A_103 = %scan3A_69 to %scan3A_71 step %scan3A_72 iter_args(%scan3A_104 = %scan3A) -> (i32)  : i32 {
      %mul3A_105 = arith.constant 8 : i32
      %mul3A_106 = arith.muli %scan3A_103, %mul3A_105 : i32
      %dma_wait3A_107 = arith.constant 0 : i32
      %dma_wait3A_108 = arith.constant 0 : i32
      %dma_wait3A_109 = tpu.memref_slice %arg5[%dma_wait3A_107, %dma_wait3A_108] : memref<200x128xi32, #tpu.memory_space<vmem>> -> memref<1x128xi32, #tpu.memory_space<vmem>>
      %dma_wait3A_110 = tpu.memref_squeeze %dma_wait3A_109 : memref<1x128xi32, #tpu.memory_space<vmem>> -> memref<128xi32, #tpu.memory_space<vmem>>
      %dma_wait3A_111 = arith.constant 0 : i32
      %dma_wait3A_112 = arith.constant 0 : i32
      %dma_wait3A_113 = tpu.memref_slice %arg3[%dma_wait3A_111, %dma_wait3A_112] : memref<1000000x64xf32, #tpu.memory_space<hbm>> -> memref<1000000x64xf32, #tpu.memory_space<hbm>>
      tpu.wait_indirect_dma semaphore(%arg16 : memref<!tpu.dma_semaphore, #tpu.memory_space<semaphore_mem>>) src(%dma_wait3A_113 : memref<1000000x64xf32, #tpu.memory_space<hbm>>) dst(%arg6 : memref<128x64xf32, #tpu.memory_space<vmem>>)
      %gt3A = arith.constant 0 : i32
      %gt3A_114 = arith.cmpi sgt, %scan3A_103, %gt3A : i32
      %convert_element_type3A = arith.extui %gt3A_114 : i1 to i32
      %cond3A = arith.constant 0 : i32
      %cond3A_115 = arith.cmpi ne, %convert_element_type3A, %cond3A : i32
      scf.if %cond3A_115 {
        %dma_wait3A_488 = arith.constant 0 : i32
        %dma_wait3A_489 = arith.constant 0 : i32
        %dma_wait3A_490 = tpu.memref_slice %arg4[%mul3A_6, %dma_wait3A_489] : memref<819200x64xf32, #tpu.memory_space<hbm>> -> memref<128x64xf32, #tpu.memory_space<hbm>>
        %dma_wait3A_491 = arith.constant 0 : i32
        %dma_wait3A_492 = arith.constant 0 : i32
        %dma_wait3A_493 = tpu.memref_slice %arg14[%arg1, %dma_wait3A_488, %dma_wait3A_491, %dma_wait3A_492] : memref<16x4x128x64xf32, #tpu.memory_space<vmem_shared>> -> memref<1x1x128x64xf32, #tpu.memory_space<vmem_shared>>
        %dma_wait3A_494 = tpu.memref_squeeze %dma_wait3A_493 : memref<1x1x128x64xf32, #tpu.memory_space<vmem_shared>> -> memref<128x64xf32, #tpu.memory_space<vmem_shared>>
        tpu.wait_dma2 semaphore(%arg28 : memref<!tpu.dma_semaphore, #tpu.memory_space<semaphore_mem>>) src(%dma_wait3A_494 : memref<128x64xf32, #tpu.memory_space<vmem_shared>>) dst(%dma_wait3A_490 : memref<128x64xf32, #tpu.memory_space<hbm>>)
      } else {
      }
      %dma_start3A_116 = arith.constant 0 : i32
      %dma_start3A_117 = arith.constant 0 : i32
      %dma_start3A_118 = arith.constant 0 : i32
      %dma_start3A_119 = tpu.memref_slice %arg14[%arg1, %dma_start3A_116, %dma_start3A_117, %dma_start3A_118] : memref<16x4x128x64xf32, #tpu.memory_space<vmem_shared>> -> memref<1x1x128x64xf32, #tpu.memory_space<vmem_shared>>
      %dma_start3A_120 = tpu.memref_squeeze %dma_start3A_119 : memref<1x1x128x64xf32, #tpu.memory_space<vmem_shared>> -> memref<128x64xf32, #tpu.memory_space<vmem_shared>>
      %dma_start3A_121 = arith.constant 0 : i32
      %dma_start3A_122 = arith.constant 0 : i32
      %dma_start3A_123 = tpu.memref_slice %arg14[%arg1, %dma_start3A_116, %dma_start3A_121, %dma_start3A_122] : memref<16x4x128x64xf32, #tpu.memory_space<vmem_shared>> -> memref<1x1x128x64xf32, #tpu.memory_space<vmem_shared>>
      %dma_start3A_124 = tpu.memref_squeeze %dma_start3A_123 : memref<1x1x128x64xf32, #tpu.memory_space<vmem_shared>> -> memref<128x64xf32, #tpu.memory_space<vmem_shared>>
      tpu.enqueue_dma source(%arg6 : memref<128x64xf32, #tpu.memory_space<vmem>>) target(%dma_start3A_124 : memref<128x64xf32, #tpu.memory_space<vmem_shared>>) target_semaphore(%arg24 : memref<!tpu.dma_semaphore, #tpu.memory_space<semaphore_mem>>)
      %dma_wait3A_125 = arith.constant 0 : i32
      %dma_wait3A_126 = arith.constant 0 : i32
      %dma_wait3A_127 = arith.constant 0 : i32
      %dma_wait3A_128 = tpu.memref_slice %arg14[%arg1, %dma_wait3A_125, %dma_wait3A_126, %dma_wait3A_127] : memref<16x4x128x64xf32, #tpu.memory_space<vmem_shared>> -> memref<1x1x128x64xf32, #tpu.memory_space<vmem_shared>>
      %dma_wait3A_129 = tpu.memref_squeeze %dma_wait3A_128 : memref<1x1x128x64xf32, #tpu.memory_space<vmem_shared>> -> memref<128x64xf32, #tpu.memory_space<vmem_shared>>
      %dma_wait3A_130 = arith.constant 0 : i32
      %dma_wait3A_131 = arith.constant 0 : i32
      %dma_wait3A_132 = tpu.memref_slice %arg14[%arg1, %dma_wait3A_125, %dma_wait3A_130, %dma_wait3A_131] : memref<16x4x128x64xf32, #tpu.memory_space<vmem_shared>> -> memref<1x1x128x64xf32, #tpu.memory_space<vmem_shared>>
      %dma_wait3A_133 = tpu.memref_squeeze %dma_wait3A_132 : memref<1x1x128x64xf32, #tpu.memory_space<vmem_shared>> -> memref<128x64xf32, #tpu.memory_space<vmem_shared>>
      tpu.wait_dma2 semaphore(%arg24 : memref<!tpu.dma_semaphore, #tpu.memory_space<semaphore_mem>>) src(%arg6 : memref<128x64xf32, #tpu.memory_space<vmem>>) dst(%dma_wait3A_133 : memref<128x64xf32, #tpu.memory_space<vmem_shared>>)
      %add3A_134 = arith.constant 0 : i32
      %add3A_135 = arith.addi %mul3A_106, %add3A_134 : i32
      %mul3A_136 = arith.constant 128 : i32
      %mul3A_137 = arith.muli %add3A_135, %mul3A_136 : i32
      %add3A_138 = arith.addi %mul3A_6, %mul3A_137 : i32
      %dma_start3A_139 = arith.constant 0 : i32
      %dma_start3A_140 = arith.constant 0 : i32
      %dma_start3A_141 = tpu.memref_slice %arg4[%add3A_138, %dma_start3A_140] : memref<819200x64xf32, #tpu.memory_space<hbm>> -> memref<128x64xf32, #tpu.memory_space<hbm>>
      %dma_start3A_142 = arith.constant 0 : i32
      %dma_start3A_143 = arith.constant 0 : i32
      %dma_start3A_144 = tpu.memref_slice %arg14[%arg1, %dma_start3A_139, %dma_start3A_142, %dma_start3A_143] : memref<16x4x128x64xf32, #tpu.memory_space<vmem_shared>> -> memref<1x1x128x64xf32, #tpu.memory_space<vmem_shared>>
      %dma_start3A_145 = tpu.memref_squeeze %dma_start3A_144 : memref<1x1x128x64xf32, #tpu.memory_space<vmem_shared>> -> memref<128x64xf32, #tpu.memory_space<vmem_shared>>
      tpu.enqueue_dma source(%dma_start3A_145 : memref<128x64xf32, #tpu.memory_space<vmem_shared>>) target(%dma_start3A_141 : memref<128x64xf32, #tpu.memory_space<hbm>>) target_semaphore(%arg28 : memref<!tpu.dma_semaphore, #tpu.memory_space<semaphore_mem>>)
      %lt3A = arith.constant 24 : i32
      %lt3A_146 = arith.cmpi slt, %scan3A_103, %lt3A : i32
      %convert_element_type3A_147 = arith.extui %lt3A_146 : i1 to i32
      %cond3A_148 = arith.constant 0 : i32
      %cond3A_149 = arith.cmpi ne, %convert_element_type3A_147, %cond3A_148 : i32
      scf.if %cond3A_149 {
        %add3A_488 = arith.constant 8 : i32
        %add3A_489 = arith.addi %mul3A_106, %add3A_488 : i32
        %add3A_490 = arith.constant 0 : i32
        %add3A_491 = arith.addi %add3A_489, %add3A_490 : i32
        %dma_start3A_492 = arith.constant 0 : i32
        %dma_start3A_493 = tpu.memref_slice %arg5[%add3A_491, %dma_start3A_492] : memref<200x128xi32, #tpu.memory_space<vmem>> -> memref<1x128xi32, #tpu.memory_space<vmem>>
        %dma_start3A_494 = tpu.memref_squeeze %dma_start3A_493 : memref<1x128xi32, #tpu.memory_space<vmem>> -> memref<128xi32, #tpu.memory_space<vmem>>
        %dma_start3A_495 = arith.constant 0 : i32
        %dma_start3A_496 = arith.constant 0 : i32
        %dma_start3A_497 = tpu.memref_slice %arg3[%dma_start3A_495, %dma_start3A_496] : memref<1000000x64xf32, #tpu.memory_space<hbm>> -> memref<1000000x64xf32, #tpu.memory_space<hbm>>
        tpu.enqueue_indirect_dma source(%dma_start3A_497 : memref<1000000x64xf32, #tpu.memory_space<hbm>>) target(%arg6 : memref<128x64xf32, #tpu.memory_space<vmem>>) offsets(%dma_start3A_494 : memref<128xi32, #tpu.memory_space<vmem>>) semaphore(%arg16 : memref<!tpu.dma_semaphore, #tpu.memory_space<semaphore_mem>>)
      } else {
      }
      %dma_wait3A_150 = arith.constant 0 : i32
      %dma_wait3A_151 = arith.constant 0 : i32
      %dma_wait3A_152 = tpu.memref_slice %arg5[%dma_wait3A_150, %dma_wait3A_151] : memref<200x128xi32, #tpu.memory_space<vmem>> -> memref<1x128xi32, #tpu.memory_space<vmem>>
      %dma_wait3A_153 = tpu.memref_squeeze %dma_wait3A_152 : memref<1x128xi32, #tpu.memory_space<vmem>> -> memref<128xi32, #tpu.memory_space<vmem>>
      %dma_wait3A_154 = arith.constant 0 : i32
      %dma_wait3A_155 = arith.constant 0 : i32
      %dma_wait3A_156 = tpu.memref_slice %arg3[%dma_wait3A_154, %dma_wait3A_155] : memref<1000000x64xf32, #tpu.memory_space<hbm>> -> memref<1000000x64xf32, #tpu.memory_space<hbm>>
      tpu.wait_indirect_dma semaphore(%arg17 : memref<!tpu.dma_semaphore, #tpu.memory_space<semaphore_mem>>) src(%dma_wait3A_156 : memref<1000000x64xf32, #tpu.memory_space<hbm>>) dst(%arg7 : memref<128x64xf32, #tpu.memory_space<vmem>>)
      %gt3A_157 = arith.constant 0 : i32
      %gt3A_158 = arith.cmpi sgt, %scan3A_103, %gt3A_157 : i32
      %convert_element_type3A_159 = arith.extui %gt3A_158 : i1 to i32
      %cond3A_160 = arith.constant 0 : i32
      %cond3A_161 = arith.cmpi ne, %convert_element_type3A_159, %cond3A_160 : i32
      scf.if %cond3A_161 {
        %dma_wait3A_488 = arith.constant 1 : i32
        %dma_wait3A_489 = arith.constant 0 : i32
        %dma_wait3A_490 = tpu.memref_slice %arg4[%mul3A_6, %dma_wait3A_489] : memref<819200x64xf32, #tpu.memory_space<hbm>> -> memref<128x64xf32, #tpu.memory_space<hbm>>
        %dma_wait3A_491 = arith.constant 0 : i32
        %dma_wait3A_492 = arith.constant 0 : i32
        %dma_wait3A_493 = tpu.memref_slice %arg14[%arg1, %dma_wait3A_488, %dma_wait3A_491, %dma_wait3A_492] : memref<16x4x128x64xf32, #tpu.memory_space<vmem_shared>> -> memref<1x1x128x64xf32, #tpu.memory_space<vmem_shared>>
        %dma_wait3A_494 = tpu.memref_squeeze %dma_wait3A_493 : memref<1x1x128x64xf32, #tpu.memory_space<vmem_shared>> -> memref<128x64xf32, #tpu.memory_space<vmem_shared>>
        tpu.wait_dma2 semaphore(%arg29 : memref<!tpu.dma_semaphore, #tpu.memory_space<semaphore_mem>>) src(%dma_wait3A_494 : memref<128x64xf32, #tpu.memory_space<vmem_shared>>) dst(%dma_wait3A_490 : memref<128x64xf32, #tpu.memory_space<hbm>>)
      } else {
      }
      %dma_start3A_162 = arith.constant 1 : i32
      %dma_start3A_163 = arith.constant 0 : i32
      %dma_start3A_164 = arith.constant 0 : i32
      %dma_start3A_165 = tpu.memref_slice %arg14[%arg1, %dma_start3A_162, %dma_start3A_163, %dma_start3A_164] : memref<16x4x128x64xf32, #tpu.memory_space<vmem_shared>> -> memref<1x1x128x64xf32, #tpu.memory_space<vmem_shared>>
      %dma_start3A_166 = tpu.memref_squeeze %dma_start3A_165 : memref<1x1x128x64xf32, #tpu.memory_space<vmem_shared>> -> memref<128x64xf32, #tpu.memory_space<vmem_shared>>
      %dma_start3A_167 = arith.constant 0 : i32
      %dma_start3A_168 = arith.constant 0 : i32
      %dma_start3A_169 = tpu.memref_slice %arg14[%arg1, %dma_start3A_162, %dma_start3A_167, %dma_start3A_168] : memref<16x4x128x64xf32, #tpu.memory_space<vmem_shared>> -> memref<1x1x128x64xf32, #tpu.memory_space<vmem_shared>>
      %dma_start3A_170 = tpu.memref_squeeze %dma_start3A_169 : memref<1x1x128x64xf32, #tpu.memory_space<vmem_shared>> -> memref<128x64xf32, #tpu.memory_space<vmem_shared>>
      tpu.enqueue_dma source(%arg7 : memref<128x64xf32, #tpu.memory_space<vmem>>) target(%dma_start3A_170 : memref<128x64xf32, #tpu.memory_space<vmem_shared>>) target_semaphore(%arg25 : memref<!tpu.dma_semaphore, #tpu.memory_space<semaphore_mem>>)
      %dma_wait3A_171 = arith.constant 1 : i32
      %dma_wait3A_172 = arith.constant 0 : i32
      %dma_wait3A_173 = arith.constant 0 : i32
      %dma_wait3A_174 = tpu.memref_slice %arg14[%arg1, %dma_wait3A_171, %dma_wait3A_172, %dma_wait3A_173] : memref<16x4x128x64xf32, #tpu.memory_space<vmem_shared>> -> memref<1x1x128x64xf32, #tpu.memory_space<vmem_shared>>
      %dma_wait3A_175 = tpu.memref_squeeze %dma_wait3A_174 : memref<1x1x128x64xf32, #tpu.memory_space<vmem_shared>> -> memref<128x64xf32, #tpu.memory_space<vmem_shared>>
      %dma_wait3A_176 = arith.constant 0 : i32
      %dma_wait3A_177 = arith.constant 0 : i32
      %dma_wait3A_178 = tpu.memref_slice %arg14[%arg1, %dma_wait3A_171, %dma_wait3A_176, %dma_wait3A_177] : memref<16x4x128x64xf32, #tpu.memory_space<vmem_shared>> -> memref<1x1x128x64xf32, #tpu.memory_space<vmem_shared>>
      %dma_wait3A_179 = tpu.memref_squeeze %dma_wait3A_178 : memref<1x1x128x64xf32, #tpu.memory_space<vmem_shared>> -> memref<128x64xf32, #tpu.memory_space<vmem_shared>>
      tpu.wait_dma2 semaphore(%arg25 : memref<!tpu.dma_semaphore, #tpu.memory_space<semaphore_mem>>) src(%arg7 : memref<128x64xf32, #tpu.memory_space<vmem>>) dst(%dma_wait3A_179 : memref<128x64xf32, #tpu.memory_space<vmem_shared>>)
      %add3A_180 = arith.constant 1 : i32
      %add3A_181 = arith.addi %mul3A_106, %add3A_180 : i32
      %mul3A_182 = arith.constant 128 : i32
      %mul3A_183 = arith.muli %add3A_181, %mul3A_182 : i32
      %add3A_184 = arith.addi %mul3A_6, %mul3A_183 : i32
      %dma_start3A_185 = arith.constant 1 : i32
      %dma_start3A_186 = arith.constant 0 : i32
      %dma_start3A_187 = tpu.memref_slice %arg4[%add3A_184, %dma_start3A_186] : memref<819200x64xf32, #tpu.memory_space<hbm>> -> memref<128x64xf32, #tpu.memory_space<hbm>>
      %dma_start3A_188 = arith.constant 0 : i32
      %dma_start3A_189 = arith.constant 0 : i32
      %dma_start3A_190 = tpu.memref_slice %arg14[%arg1, %dma_start3A_185, %dma_start3A_188, %dma_start3A_189] : memref<16x4x128x64xf32, #tpu.memory_space<vmem_shared>> -> memref<1x1x128x64xf32, #tpu.memory_space<vmem_shared>>
      %dma_start3A_191 = tpu.memref_squeeze %dma_start3A_190 : memref<1x1x128x64xf32, #tpu.memory_space<vmem_shared>> -> memref<128x64xf32, #tpu.memory_space<vmem_shared>>
      tpu.enqueue_dma source(%dma_start3A_191 : memref<128x64xf32, #tpu.memory_space<vmem_shared>>) target(%dma_start3A_187 : memref<128x64xf32, #tpu.memory_space<hbm>>) target_semaphore(%arg29 : memref<!tpu.dma_semaphore, #tpu.memory_space<semaphore_mem>>)
      %lt3A_192 = arith.constant 24 : i32
      %lt3A_193 = arith.cmpi slt, %scan3A_103, %lt3A_192 : i32
      %convert_element_type3A_194 = arith.extui %lt3A_193 : i1 to i32
      %cond3A_195 = arith.constant 0 : i32
      %cond3A_196 = arith.cmpi ne, %convert_element_type3A_194, %cond3A_195 : i32
      scf.if %cond3A_196 {
        %add3A_488 = arith.constant 8 : i32
        %add3A_489 = arith.addi %mul3A_106, %add3A_488 : i32
        %add3A_490 = arith.constant 1 : i32
        %add3A_491 = arith.addi %add3A_489, %add3A_490 : i32
        %dma_start3A_492 = arith.constant 0 : i32
        %dma_start3A_493 = tpu.memref_slice %arg5[%add3A_491, %dma_start3A_492] : memref<200x128xi32, #tpu.memory_space<vmem>> -> memref<1x128xi32, #tpu.memory_space<vmem>>
        %dma_start3A_494 = tpu.memref_squeeze %dma_start3A_493 : memref<1x128xi32, #tpu.memory_space<vmem>> -> memref<128xi32, #tpu.memory_space<vmem>>
        %dma_start3A_495 = arith.constant 0 : i32
        %dma_start3A_496 = arith.constant 0 : i32
        %dma_start3A_497 = tpu.memref_slice %arg3[%dma_start3A_495, %dma_start3A_496] : memref<1000000x64xf32, #tpu.memory_space<hbm>> -> memref<1000000x64xf32, #tpu.memory_space<hbm>>
        tpu.enqueue_indirect_dma source(%dma_start3A_497 : memref<1000000x64xf32, #tpu.memory_space<hbm>>) target(%arg7 : memref<128x64xf32, #tpu.memory_space<vmem>>) offsets(%dma_start3A_494 : memref<128xi32, #tpu.memory_space<vmem>>) semaphore(%arg17 : memref<!tpu.dma_semaphore, #tpu.memory_space<semaphore_mem>>)
      } else {
      }
      %dma_wait3A_197 = arith.constant 0 : i32
      %dma_wait3A_198 = arith.constant 0 : i32
      %dma_wait3A_199 = tpu.memref_slice %arg5[%dma_wait3A_197, %dma_wait3A_198] : memref<200x128xi32, #tpu.memory_space<vmem>> -> memref<1x128xi32, #tpu.memory_space<vmem>>
      %dma_wait3A_200 = tpu.memref_squeeze %dma_wait3A_199 : memref<1x128xi32, #tpu.memory_space<vmem>> -> memref<128xi32, #tpu.memory_space<vmem>>
      %dma_wait3A_201 = arith.constant 0 : i32
      %dma_wait3A_202 = arith.constant 0 : i32
      %dma_wait3A_203 = tpu.memref_slice %arg3[%dma_wait3A_201, %dma_wait3A_202] : memref<1000000x64xf32, #tpu.memory_space<hbm>> -> memref<1000000x64xf32, #tpu.memory_space<hbm>>
      tpu.wait_indirect_dma semaphore(%arg18 : memref<!tpu.dma_semaphore, #tpu.memory_space<semaphore_mem>>) src(%dma_wait3A_203 : memref<1000000x64xf32, #tpu.memory_space<hbm>>) dst(%arg8 : memref<128x64xf32, #tpu.memory_space<vmem>>)
      %gt3A_204 = arith.constant 0 : i32
      %gt3A_205 = arith.cmpi sgt, %scan3A_103, %gt3A_204 : i32
      %convert_element_type3A_206 = arith.extui %gt3A_205 : i1 to i32
      %cond3A_207 = arith.constant 0 : i32
      %cond3A_208 = arith.cmpi ne, %convert_element_type3A_206, %cond3A_207 : i32
      scf.if %cond3A_208 {
        %dma_wait3A_488 = arith.constant 2 : i32
        %dma_wait3A_489 = arith.constant 0 : i32
        %dma_wait3A_490 = tpu.memref_slice %arg4[%mul3A_6, %dma_wait3A_489] : memref<819200x64xf32, #tpu.memory_space<hbm>> -> memref<128x64xf32, #tpu.memory_space<hbm>>
        %dma_wait3A_491 = arith.constant 0 : i32
        %dma_wait3A_492 = arith.constant 0 : i32
        %dma_wait3A_493 = tpu.memref_slice %arg14[%arg1, %dma_wait3A_488, %dma_wait3A_491, %dma_wait3A_492] : memref<16x4x128x64xf32, #tpu.memory_space<vmem_shared>> -> memref<1x1x128x64xf32, #tpu.memory_space<vmem_shared>>
        %dma_wait3A_494 = tpu.memref_squeeze %dma_wait3A_493 : memref<1x1x128x64xf32, #tpu.memory_space<vmem_shared>> -> memref<128x64xf32, #tpu.memory_space<vmem_shared>>
        tpu.wait_dma2 semaphore(%arg30 : memref<!tpu.dma_semaphore, #tpu.memory_space<semaphore_mem>>) src(%dma_wait3A_494 : memref<128x64xf32, #tpu.memory_space<vmem_shared>>) dst(%dma_wait3A_490 : memref<128x64xf32, #tpu.memory_space<hbm>>)
      } else {
      }
      %dma_start3A_209 = arith.constant 2 : i32
      %dma_start3A_210 = arith.constant 0 : i32
      %dma_start3A_211 = arith.constant 0 : i32
      %dma_start3A_212 = tpu.memref_slice %arg14[%arg1, %dma_start3A_209, %dma_start3A_210, %dma_start3A_211] : memref<16x4x128x64xf32, #tpu.memory_space<vmem_shared>> -> memref<1x1x128x64xf32, #tpu.memory_space<vmem_shared>>
      %dma_start3A_213 = tpu.memref_squeeze %dma_start3A_212 : memref<1x1x128x64xf32, #tpu.memory_space<vmem_shared>> -> memref<128x64xf32, #tpu.memory_space<vmem_shared>>
      %dma_start3A_214 = arith.constant 0 : i32
      %dma_start3A_215 = arith.constant 0 : i32
      %dma_start3A_216 = tpu.memref_slice %arg14[%arg1, %dma_start3A_209, %dma_start3A_214, %dma_start3A_215] : memref<16x4x128x64xf32, #tpu.memory_space<vmem_shared>> -> memref<1x1x128x64xf32, #tpu.memory_space<vmem_shared>>
      %dma_start3A_217 = tpu.memref_squeeze %dma_start3A_216 : memref<1x1x128x64xf32, #tpu.memory_space<vmem_shared>> -> memref<128x64xf32, #tpu.memory_space<vmem_shared>>
      tpu.enqueue_dma source(%arg8 : memref<128x64xf32, #tpu.memory_space<vmem>>) target(%dma_start3A_217 : memref<128x64xf32, #tpu.memory_space<vmem_shared>>) target_semaphore(%arg26 : memref<!tpu.dma_semaphore, #tpu.memory_space<semaphore_mem>>)
      %dma_wait3A_218 = arith.constant 2 : i32
      %dma_wait3A_219 = arith.constant 0 : i32
      %dma_wait3A_220 = arith.constant 0 : i32
      %dma_wait3A_221 = tpu.memref_slice %arg14[%arg1, %dma_wait3A_218, %dma_wait3A_219, %dma_wait3A_220] : memref<16x4x128x64xf32, #tpu.memory_space<vmem_shared>> -> memref<1x1x128x64xf32, #tpu.memory_space<vmem_shared>>
      %dma_wait3A_222 = tpu.memref_squeeze %dma_wait3A_221 : memref<1x1x128x64xf32, #tpu.memory_space<vmem_shared>> -> memref<128x64xf32, #tpu.memory_space<vmem_shared>>
      %dma_wait3A_223 = arith.constant 0 : i32
      %dma_wait3A_224 = arith.constant 0 : i32
      %dma_wait3A_225 = tpu.memref_slice %arg14[%arg1, %dma_wait3A_218, %dma_wait3A_223, %dma_wait3A_224] : memref<16x4x128x64xf32, #tpu.memory_space<vmem_shared>> -> memref<1x1x128x64xf32, #tpu.memory_space<vmem_shared>>
      %dma_wait3A_226 = tpu.memref_squeeze %dma_wait3A_225 : memref<1x1x128x64xf32, #tpu.memory_space<vmem_shared>> -> memref<128x64xf32, #tpu.memory_space<vmem_shared>>
      tpu.wait_dma2 semaphore(%arg26 : memref<!tpu.dma_semaphore, #tpu.memory_space<semaphore_mem>>) src(%arg8 : memref<128x64xf32, #tpu.memory_space<vmem>>) dst(%dma_wait3A_226 : memref<128x64xf32, #tpu.memory_space<vmem_shared>>)
      %add3A_227 = arith.constant 2 : i32
      %add3A_228 = arith.addi %mul3A_106, %add3A_227 : i32
      %mul3A_229 = arith.constant 128 : i32
      %mul3A_230 = arith.muli %add3A_228, %mul3A_229 : i32
      %add3A_231 = arith.addi %mul3A_6, %mul3A_230 : i32
      %dma_start3A_232 = arith.constant 2 : i32
      %dma_start3A_233 = arith.constant 0 : i32
      %dma_start3A_234 = tpu.memref_slice %arg4[%add3A_231, %dma_start3A_233] : memref<819200x64xf32, #tpu.memory_space<hbm>> -> memref<128x64xf32, #tpu.memory_space<hbm>>
      %dma_start3A_235 = arith.constant 0 : i32
      %dma_start3A_236 = arith.constant 0 : i32
      %dma_start3A_237 = tpu.memref_slice %arg14[%arg1, %dma_start3A_232, %dma_start3A_235, %dma_start3A_236] : memref<16x4x128x64xf32, #tpu.memory_space<vmem_shared>> -> memref<1x1x128x64xf32, #tpu.memory_space<vmem_shared>>
      %dma_start3A_238 = tpu.memref_squeeze %dma_start3A_237 : memref<1x1x128x64xf32, #tpu.memory_space<vmem_shared>> -> memref<128x64xf32, #tpu.memory_space<vmem_shared>>
      tpu.enqueue_dma source(%dma_start3A_238 : memref<128x64xf32, #tpu.memory_space<vmem_shared>>) target(%dma_start3A_234 : memref<128x64xf32, #tpu.memory_space<hbm>>) target_semaphore(%arg30 : memref<!tpu.dma_semaphore, #tpu.memory_space<semaphore_mem>>)
      %lt3A_239 = arith.constant 24 : i32
      %lt3A_240 = arith.cmpi slt, %scan3A_103, %lt3A_239 : i32
      %convert_element_type3A_241 = arith.extui %lt3A_240 : i1 to i32
      %cond3A_242 = arith.constant 0 : i32
      %cond3A_243 = arith.cmpi ne, %convert_element_type3A_241, %cond3A_242 : i32
      scf.if %cond3A_243 {
        %add3A_488 = arith.constant 8 : i32
        %add3A_489 = arith.addi %mul3A_106, %add3A_488 : i32
        %add3A_490 = arith.constant 2 : i32
        %add3A_491 = arith.addi %add3A_489, %add3A_490 : i32
        %dma_start3A_492 = arith.constant 0 : i32
        %dma_start3A_493 = tpu.memref_slice %arg5[%add3A_491, %dma_start3A_492] : memref<200x128xi32, #tpu.memory_space<vmem>> -> memref<1x128xi32, #tpu.memory_space<vmem>>
        %dma_start3A_494 = tpu.memref_squeeze %dma_start3A_493 : memref<1x128xi32, #tpu.memory_space<vmem>> -> memref<128xi32, #tpu.memory_space<vmem>>
        %dma_start3A_495 = arith.constant 0 : i32
        %dma_start3A_496 = arith.constant 0 : i32
        %dma_start3A_497 = tpu.memref_slice %arg3[%dma_start3A_495, %dma_start3A_496] : memref<1000000x64xf32, #tpu.memory_space<hbm>> -> memref<1000000x64xf32, #tpu.memory_space<hbm>>
        tpu.enqueue_indirect_dma source(%dma_start3A_497 : memref<1000000x64xf32, #tpu.memory_space<hbm>>) target(%arg8 : memref<128x64xf32, #tpu.memory_space<vmem>>) offsets(%dma_start3A_494 : memref<128xi32, #tpu.memory_space<vmem>>) semaphore(%arg18 : memref<!tpu.dma_semaphore, #tpu.memory_space<semaphore_mem>>)
      } else {
      }
      %dma_wait3A_244 = arith.constant 0 : i32
      %dma_wait3A_245 = arith.constant 0 : i32
      %dma_wait3A_246 = tpu.memref_slice %arg5[%dma_wait3A_244, %dma_wait3A_245] : memref<200x128xi32, #tpu.memory_space<vmem>> -> memref<1x128xi32, #tpu.memory_space<vmem>>
      %dma_wait3A_247 = tpu.memref_squeeze %dma_wait3A_246 : memref<1x128xi32, #tpu.memory_space<vmem>> -> memref<128xi32, #tpu.memory_space<vmem>>
      %dma_wait3A_248 = arith.constant 0 : i32
      %dma_wait3A_249 = arith.constant 0 : i32
      %dma_wait3A_250 = tpu.memref_slice %arg3[%dma_wait3A_248, %dma_wait3A_249] : memref<1000000x64xf32, #tpu.memory_space<hbm>> -> memref<1000000x64xf32, #tpu.memory_space<hbm>>
      tpu.wait_indirect_dma semaphore(%arg19 : memref<!tpu.dma_semaphore, #tpu.memory_space<semaphore_mem>>) src(%dma_wait3A_250 : memref<1000000x64xf32, #tpu.memory_space<hbm>>) dst(%arg9 : memref<128x64xf32, #tpu.memory_space<vmem>>)
      %gt3A_251 = arith.constant 0 : i32
      %gt3A_252 = arith.cmpi sgt, %scan3A_103, %gt3A_251 : i32
      %convert_element_type3A_253 = arith.extui %gt3A_252 : i1 to i32
      %cond3A_254 = arith.constant 0 : i32
      %cond3A_255 = arith.cmpi ne, %convert_element_type3A_253, %cond3A_254 : i32
      scf.if %cond3A_255 {
        %dma_wait3A_488 = arith.constant 3 : i32
        %dma_wait3A_489 = arith.constant 0 : i32
        %dma_wait3A_490 = tpu.memref_slice %arg4[%mul3A_6, %dma_wait3A_489] : memref<819200x64xf32, #tpu.memory_space<hbm>> -> memref<128x64xf32, #tpu.memory_space<hbm>>
        %dma_wait3A_491 = arith.constant 0 : i32
        %dma_wait3A_492 = arith.constant 0 : i32
        %dma_wait3A_493 = tpu.memref_slice %arg14[%arg1, %dma_wait3A_488, %dma_wait3A_491, %dma_wait3A_492] : memref<16x4x128x64xf32, #tpu.memory_space<vmem_shared>> -> memref<1x1x128x64xf32, #tpu.memory_space<vmem_shared>>
        %dma_wait3A_494 = tpu.memref_squeeze %dma_wait3A_493 : memref<1x1x128x64xf32, #tpu.memory_space<vmem_shared>> -> memref<128x64xf32, #tpu.memory_space<vmem_shared>>
        tpu.wait_dma2 semaphore(%arg31 : memref<!tpu.dma_semaphore, #tpu.memory_space<semaphore_mem>>) src(%dma_wait3A_494 : memref<128x64xf32, #tpu.memory_space<vmem_shared>>) dst(%dma_wait3A_490 : memref<128x64xf32, #tpu.memory_space<hbm>>)
      } else {
      }
      %dma_start3A_256 = arith.constant 3 : i32
      %dma_start3A_257 = arith.constant 0 : i32
      %dma_start3A_258 = arith.constant 0 : i32
      %dma_start3A_259 = tpu.memref_slice %arg14[%arg1, %dma_start3A_256, %dma_start3A_257, %dma_start3A_258] : memref<16x4x128x64xf32, #tpu.memory_space<vmem_shared>> -> memref<1x1x128x64xf32, #tpu.memory_space<vmem_shared>>
      %dma_start3A_260 = tpu.memref_squeeze %dma_start3A_259 : memref<1x1x128x64xf32, #tpu.memory_space<vmem_shared>> -> memref<128x64xf32, #tpu.memory_space<vmem_shared>>
      %dma_start3A_261 = arith.constant 0 : i32
      %dma_start3A_262 = arith.constant 0 : i32
      %dma_start3A_263 = tpu.memref_slice %arg14[%arg1, %dma_start3A_256, %dma_start3A_261, %dma_start3A_262] : memref<16x4x128x64xf32, #tpu.memory_space<vmem_shared>> -> memref<1x1x128x64xf32, #tpu.memory_space<vmem_shared>>
      %dma_start3A_264 = tpu.memref_squeeze %dma_start3A_263 : memref<1x1x128x64xf32, #tpu.memory_space<vmem_shared>> -> memref<128x64xf32, #tpu.memory_space<vmem_shared>>
      tpu.enqueue_dma source(%arg9 : memref<128x64xf32, #tpu.memory_space<vmem>>) target(%dma_start3A_264 : memref<128x64xf32, #tpu.memory_space<vmem_shared>>) target_semaphore(%arg27 : memref<!tpu.dma_semaphore, #tpu.memory_space<semaphore_mem>>)
      %dma_wait3A_265 = arith.constant 3 : i32
      %dma_wait3A_266 = arith.constant 0 : i32
      %dma_wait3A_267 = arith.constant 0 : i32
      %dma_wait3A_268 = tpu.memref_slice %arg14[%arg1, %dma_wait3A_265, %dma_wait3A_266, %dma_wait3A_267] : memref<16x4x128x64xf32, #tpu.memory_space<vmem_shared>> -> memref<1x1x128x64xf32, #tpu.memory_space<vmem_shared>>
      %dma_wait3A_269 = tpu.memref_squeeze %dma_wait3A_268 : memref<1x1x128x64xf32, #tpu.memory_space<vmem_shared>> -> memref<128x64xf32, #tpu.memory_space<vmem_shared>>
      %dma_wait3A_270 = arith.constant 0 : i32
      %dma_wait3A_271 = arith.constant 0 : i32
      %dma_wait3A_272 = tpu.memref_slice %arg14[%arg1, %dma_wait3A_265, %dma_wait3A_270, %dma_wait3A_271] : memref<16x4x128x64xf32, #tpu.memory_space<vmem_shared>> -> memref<1x1x128x64xf32, #tpu.memory_space<vmem_shared>>
      %dma_wait3A_273 = tpu.memref_squeeze %dma_wait3A_272 : memref<1x1x128x64xf32, #tpu.memory_space<vmem_shared>> -> memref<128x64xf32, #tpu.memory_space<vmem_shared>>
      tpu.wait_dma2 semaphore(%arg27 : memref<!tpu.dma_semaphore, #tpu.memory_space<semaphore_mem>>) src(%arg9 : memref<128x64xf32, #tpu.memory_space<vmem>>) dst(%dma_wait3A_273 : memref<128x64xf32, #tpu.memory_space<vmem_shared>>)
      %add3A_274 = arith.constant 3 : i32
      %add3A_275 = arith.addi %mul3A_106, %add3A_274 : i32
      %mul3A_276 = arith.constant 128 : i32
      %mul3A_277 = arith.muli %add3A_275, %mul3A_276 : i32
      %add3A_278 = arith.addi %mul3A_6, %mul3A_277 : i32
      %dma_start3A_279 = arith.constant 3 : i32
      %dma_start3A_280 = arith.constant 0 : i32
      %dma_start3A_281 = tpu.memref_slice %arg4[%add3A_278, %dma_start3A_280] : memref<819200x64xf32, #tpu.memory_space<hbm>> -> memref<128x64xf32, #tpu.memory_space<hbm>>
      %dma_start3A_282 = arith.constant 0 : i32
      %dma_start3A_283 = arith.constant 0 : i32
      %dma_start3A_284 = tpu.memref_slice %arg14[%arg1, %dma_start3A_279, %dma_start3A_282, %dma_start3A_283] : memref<16x4x128x64xf32, #tpu.memory_space<vmem_shared>> -> memref<1x1x128x64xf32, #tpu.memory_space<vmem_shared>>
      %dma_start3A_285 = tpu.memref_squeeze %dma_start3A_284 : memref<1x1x128x64xf32, #tpu.memory_space<vmem_shared>> -> memref<128x64xf32, #tpu.memory_space<vmem_shared>>
      tpu.enqueue_dma source(%dma_start3A_285 : memref<128x64xf32, #tpu.memory_space<vmem_shared>>) target(%dma_start3A_281 : memref<128x64xf32, #tpu.memory_space<hbm>>) target_semaphore(%arg31 : memref<!tpu.dma_semaphore, #tpu.memory_space<semaphore_mem>>)
      %lt3A_286 = arith.constant 24 : i32
      %lt3A_287 = arith.cmpi slt, %scan3A_103, %lt3A_286 : i32
      %convert_element_type3A_288 = arith.extui %lt3A_287 : i1 to i32
      %cond3A_289 = arith.constant 0 : i32
      %cond3A_290 = arith.cmpi ne, %convert_element_type3A_288, %cond3A_289 : i32
      scf.if %cond3A_290 {
        %add3A_488 = arith.constant 8 : i32
        %add3A_489 = arith.addi %mul3A_106, %add3A_488 : i32
        %add3A_490 = arith.constant 3 : i32
        %add3A_491 = arith.addi %add3A_489, %add3A_490 : i32
        %dma_start3A_492 = arith.constant 0 : i32
        %dma_start3A_493 = tpu.memref_slice %arg5[%add3A_491, %dma_start3A_492] : memref<200x128xi32, #tpu.memory_space<vmem>> -> memref<1x128xi32, #tpu.memory_space<vmem>>
        %dma_start3A_494 = tpu.memref_squeeze %dma_start3A_493 : memref<1x128xi32, #tpu.memory_space<vmem>> -> memref<128xi32, #tpu.memory_space<vmem>>
        %dma_start3A_495 = arith.constant 0 : i32
        %dma_start3A_496 = arith.constant 0 : i32
        %dma_start3A_497 = tpu.memref_slice %arg3[%dma_start3A_495, %dma_start3A_496] : memref<1000000x64xf32, #tpu.memory_space<hbm>> -> memref<1000000x64xf32, #tpu.memory_space<hbm>>
        tpu.enqueue_indirect_dma source(%dma_start3A_497 : memref<1000000x64xf32, #tpu.memory_space<hbm>>) target(%arg9 : memref<128x64xf32, #tpu.memory_space<vmem>>) offsets(%dma_start3A_494 : memref<128xi32, #tpu.memory_space<vmem>>) semaphore(%arg19 : memref<!tpu.dma_semaphore, #tpu.memory_space<semaphore_mem>>)
      } else {
      }
      %dma_wait3A_291 = arith.constant 0 : i32
      %dma_wait3A_292 = arith.constant 0 : i32
      %dma_wait3A_293 = tpu.memref_slice %arg5[%dma_wait3A_291, %dma_wait3A_292] : memref<200x128xi32, #tpu.memory_space<vmem>> -> memref<1x128xi32, #tpu.memory_space<vmem>>
      %dma_wait3A_294 = tpu.memref_squeeze %dma_wait3A_293 : memref<1x128xi32, #tpu.memory_space<vmem>> -> memref<128xi32, #tpu.memory_space<vmem>>
      %dma_wait3A_295 = arith.constant 0 : i32
      %dma_wait3A_296 = arith.constant 0 : i32
      %dma_wait3A_297 = tpu.memref_slice %arg3[%dma_wait3A_295, %dma_wait3A_296] : memref<1000000x64xf32, #tpu.memory_space<hbm>> -> memref<1000000x64xf32, #tpu.memory_space<hbm>>
      tpu.wait_indirect_dma semaphore(%arg20 : memref<!tpu.dma_semaphore, #tpu.memory_space<semaphore_mem>>) src(%dma_wait3A_297 : memref<1000000x64xf32, #tpu.memory_space<hbm>>) dst(%arg10 : memref<128x64xf32, #tpu.memory_space<vmem>>)
      %dma_wait3A_298 = arith.constant 0 : i32
      %dma_wait3A_299 = arith.constant 0 : i32
      %dma_wait3A_300 = tpu.memref_slice %arg4[%mul3A_6, %dma_wait3A_299] : memref<819200x64xf32, #tpu.memory_space<hbm>> -> memref<128x64xf32, #tpu.memory_space<hbm>>
      %dma_wait3A_301 = arith.constant 0 : i32
      %dma_wait3A_302 = arith.constant 0 : i32
      %dma_wait3A_303 = tpu.memref_slice %arg14[%arg1, %dma_wait3A_298, %dma_wait3A_301, %dma_wait3A_302] : memref<16x4x128x64xf32, #tpu.memory_space<vmem_shared>> -> memref<1x1x128x64xf32, #tpu.memory_space<vmem_shared>>
      %dma_wait3A_304 = tpu.memref_squeeze %dma_wait3A_303 : memref<1x1x128x64xf32, #tpu.memory_space<vmem_shared>> -> memref<128x64xf32, #tpu.memory_space<vmem_shared>>
      tpu.wait_dma2 semaphore(%arg28 : memref<!tpu.dma_semaphore, #tpu.memory_space<semaphore_mem>>) src(%dma_wait3A_304 : memref<128x64xf32, #tpu.memory_space<vmem_shared>>) dst(%dma_wait3A_300 : memref<128x64xf32, #tpu.memory_space<hbm>>)
      %dma_start3A_305 = arith.constant 0 : i32
      %dma_start3A_306 = arith.constant 0 : i32
      %dma_start3A_307 = arith.constant 0 : i32
      %dma_start3A_308 = tpu.memref_slice %arg14[%arg1, %dma_start3A_305, %dma_start3A_306, %dma_start3A_307] : memref<16x4x128x64xf32, #tpu.memory_space<vmem_shared>> -> memref<1x1x128x64xf32, #tpu.memory_space<vmem_shared>>
      %dma_start3A_309 = tpu.memref_squeeze %dma_start3A_308 : memref<1x1x128x64xf32, #tpu.memory_space<vmem_shared>> -> memref<128x64xf32, #tpu.memory_space<vmem_shared>>
      %dma_start3A_310 = arith.constant 0 : i32
      %dma_start3A_311 = arith.constant 0 : i32
      %dma_start3A_312 = tpu.memref_slice %arg14[%arg1, %dma_start3A_305, %dma_start3A_310, %dma_start3A_311] : memref<16x4x128x64xf32, #tpu.memory_space<vmem_shared>> -> memref<1x1x128x64xf32, #tpu.memory_space<vmem_shared>>
      %dma_start3A_313 = tpu.memref_squeeze %dma_start3A_312 : memref<1x1x128x64xf32, #tpu.memory_space<vmem_shared>> -> memref<128x64xf32, #tpu.memory_space<vmem_shared>>
      tpu.enqueue_dma source(%arg10 : memref<128x64xf32, #tpu.memory_space<vmem>>) target(%dma_start3A_313 : memref<128x64xf32, #tpu.memory_space<vmem_shared>>) target_semaphore(%arg24 : memref<!tpu.dma_semaphore, #tpu.memory_space<semaphore_mem>>)
      %dma_wait3A_314 = arith.constant 0 : i32
      %dma_wait3A_315 = arith.constant 0 : i32
      %dma_wait3A_316 = arith.constant 0 : i32
      %dma_wait3A_317 = tpu.memref_slice %arg14[%arg1, %dma_wait3A_314, %dma_wait3A_315, %dma_wait3A_316] : memref<16x4x128x64xf32, #tpu.memory_space<vmem_shared>> -> memref<1x1x128x64xf32, #tpu.memory_space<vmem_shared>>
      %dma_wait3A_318 = tpu.memref_squeeze %dma_wait3A_317 : memref<1x1x128x64xf32, #tpu.memory_space<vmem_shared>> -> memref<128x64xf32, #tpu.memory_space<vmem_shared>>
      %dma_wait3A_319 = arith.constant 0 : i32
      %dma_wait3A_320 = arith.constant 0 : i32
      %dma_wait3A_321 = tpu.memref_slice %arg14[%arg1, %dma_wait3A_314, %dma_wait3A_319, %dma_wait3A_320] : memref<16x4x128x64xf32, #tpu.memory_space<vmem_shared>> -> memref<1x1x128x64xf32, #tpu.memory_space<vmem_shared>>
      %dma_wait3A_322 = tpu.memref_squeeze %dma_wait3A_321 : memref<1x1x128x64xf32, #tpu.memory_space<vmem_shared>> -> memref<128x64xf32, #tpu.memory_space<vmem_shared>>
      tpu.wait_dma2 semaphore(%arg24 : memref<!tpu.dma_semaphore, #tpu.memory_space<semaphore_mem>>) src(%arg10 : memref<128x64xf32, #tpu.memory_space<vmem>>) dst(%dma_wait3A_322 : memref<128x64xf32, #tpu.memory_space<vmem_shared>>)
      %add3A_323 = arith.constant 4 : i32
      %add3A_324 = arith.addi %mul3A_106, %add3A_323 : i32
      %mul3A_325 = arith.constant 128 : i32
      %mul3A_326 = arith.muli %add3A_324, %mul3A_325 : i32
      %add3A_327 = arith.addi %mul3A_6, %mul3A_326 : i32
      %dma_start3A_328 = arith.constant 0 : i32
      %dma_start3A_329 = arith.constant 0 : i32
      %dma_start3A_330 = tpu.memref_slice %arg4[%add3A_327, %dma_start3A_329] : memref<819200x64xf32, #tpu.memory_space<hbm>> -> memref<128x64xf32, #tpu.memory_space<hbm>>
      %dma_start3A_331 = arith.constant 0 : i32
      %dma_start3A_332 = arith.constant 0 : i32
      %dma_start3A_333 = tpu.memref_slice %arg14[%arg1, %dma_start3A_328, %dma_start3A_331, %dma_start3A_332] : memref<16x4x128x64xf32, #tpu.memory_space<vmem_shared>> -> memref<1x1x128x64xf32, #tpu.memory_space<vmem_shared>>
      %dma_start3A_334 = tpu.memref_squeeze %dma_start3A_333 : memref<1x1x128x64xf32, #tpu.memory_space<vmem_shared>> -> memref<128x64xf32, #tpu.memory_space<vmem_shared>>
      tpu.enqueue_dma source(%dma_start3A_334 : memref<128x64xf32, #tpu.memory_space<vmem_shared>>) target(%dma_start3A_330 : memref<128x64xf32, #tpu.memory_space<hbm>>) target_semaphore(%arg28 : memref<!tpu.dma_semaphore, #tpu.memory_space<semaphore_mem>>)
      %lt3A_335 = arith.constant 24 : i32
      %lt3A_336 = arith.cmpi slt, %scan3A_103, %lt3A_335 : i32
      %convert_element_type3A_337 = arith.extui %lt3A_336 : i1 to i32
      %cond3A_338 = arith.constant 0 : i32
      %cond3A_339 = arith.cmpi ne, %convert_element_type3A_337, %cond3A_338 : i32
      scf.if %cond3A_339 {
        %add3A_488 = arith.constant 8 : i32
        %add3A_489 = arith.addi %mul3A_106, %add3A_488 : i32
        %add3A_490 = arith.constant 4 : i32
        %add3A_491 = arith.addi %add3A_489, %add3A_490 : i32
        %dma_start3A_492 = arith.constant 0 : i32
        %dma_start3A_493 = tpu.memref_slice %arg5[%add3A_491, %dma_start3A_492] : memref<200x128xi32, #tpu.memory_space<vmem>> -> memref<1x128xi32, #tpu.memory_space<vmem>>
        %dma_start3A_494 = tpu.memref_squeeze %dma_start3A_493 : memref<1x128xi32, #tpu.memory_space<vmem>> -> memref<128xi32, #tpu.memory_space<vmem>>
        %dma_start3A_495 = arith.constant 0 : i32
        %dma_start3A_496 = arith.constant 0 : i32
        %dma_start3A_497 = tpu.memref_slice %arg3[%dma_start3A_495, %dma_start3A_496] : memref<1000000x64xf32, #tpu.memory_space<hbm>> -> memref<1000000x64xf32, #tpu.memory_space<hbm>>
        tpu.enqueue_indirect_dma source(%dma_start3A_497 : memref<1000000x64xf32, #tpu.memory_space<hbm>>) target(%arg10 : memref<128x64xf32, #tpu.memory_space<vmem>>) offsets(%dma_start3A_494 : memref<128xi32, #tpu.memory_space<vmem>>) semaphore(%arg20 : memref<!tpu.dma_semaphore, #tpu.memory_space<semaphore_mem>>)
      } else {
      }
      %dma_wait3A_340 = arith.constant 0 : i32
      %dma_wait3A_341 = arith.constant 0 : i32
      %dma_wait3A_342 = tpu.memref_slice %arg5[%dma_wait3A_340, %dma_wait3A_341] : memref<200x128xi32, #tpu.memory_space<vmem>> -> memref<1x128xi32, #tpu.memory_space<vmem>>
      %dma_wait3A_343 = tpu.memref_squeeze %dma_wait3A_342 : memref<1x128xi32, #tpu.memory_space<vmem>> -> memref<128xi32, #tpu.memory_space<vmem>>
      %dma_wait3A_344 = arith.constant 0 : i32
      %dma_wait3A_345 = arith.constant 0 : i32
      %dma_wait3A_346 = tpu.memref_slice %arg3[%dma_wait3A_344, %dma_wait3A_345] : memref<1000000x64xf32, #tpu.memory_space<hbm>> -> memref<1000000x64xf32, #tpu.memory_space<hbm>>
      tpu.wait_indirect_dma semaphore(%arg21 : memref<!tpu.dma_semaphore, #tpu.memory_space<semaphore_mem>>) src(%dma_wait3A_346 : memref<1000000x64xf32, #tpu.memory_space<hbm>>) dst(%arg11 : memref<128x64xf32, #tpu.memory_space<vmem>>)
      %dma_wait3A_347 = arith.constant 1 : i32
      %dma_wait3A_348 = arith.constant 0 : i32
      %dma_wait3A_349 = tpu.memref_slice %arg4[%mul3A_6, %dma_wait3A_348] : memref<819200x64xf32, #tpu.memory_space<hbm>> -> memref<128x64xf32, #tpu.memory_space<hbm>>
      %dma_wait3A_350 = arith.constant 0 : i32
      %dma_wait3A_351 = arith.constant 0 : i32
      %dma_wait3A_352 = tpu.memref_slice %arg14[%arg1, %dma_wait3A_347, %dma_wait3A_350, %dma_wait3A_351] : memref<16x4x128x64xf32, #tpu.memory_space<vmem_shared>> -> memref<1x1x128x64xf32, #tpu.memory_space<vmem_shared>>
      %dma_wait3A_353 = tpu.memref_squeeze %dma_wait3A_352 : memref<1x1x128x64xf32, #tpu.memory_space<vmem_shared>> -> memref<128x64xf32, #tpu.memory_space<vmem_shared>>
      tpu.wait_dma2 semaphore(%arg29 : memref<!tpu.dma_semaphore, #tpu.memory_space<semaphore_mem>>) src(%dma_wait3A_353 : memref<128x64xf32, #tpu.memory_space<vmem_shared>>) dst(%dma_wait3A_349 : memref<128x64xf32, #tpu.memory_space<hbm>>)
      %dma_start3A_354 = arith.constant 1 : i32
      %dma_start3A_355 = arith.constant 0 : i32
      %dma_start3A_356 = arith.constant 0 : i32
      %dma_start3A_357 = tpu.memref_slice %arg14[%arg1, %dma_start3A_354, %dma_start3A_355, %dma_start3A_356] : memref<16x4x128x64xf32, #tpu.memory_space<vmem_shared>> -> memref<1x1x128x64xf32, #tpu.memory_space<vmem_shared>>
      %dma_start3A_358 = tpu.memref_squeeze %dma_start3A_357 : memref<1x1x128x64xf32, #tpu.memory_space<vmem_shared>> -> memref<128x64xf32, #tpu.memory_space<vmem_shared>>
      %dma_start3A_359 = arith.constant 0 : i32
      %dma_start3A_360 = arith.constant 0 : i32
      %dma_start3A_361 = tpu.memref_slice %arg14[%arg1, %dma_start3A_354, %dma_start3A_359, %dma_start3A_360] : memref<16x4x128x64xf32, #tpu.memory_space<vmem_shared>> -> memref<1x1x128x64xf32, #tpu.memory_space<vmem_shared>>
      %dma_start3A_362 = tpu.memref_squeeze %dma_start3A_361 : memref<1x1x128x64xf32, #tpu.memory_space<vmem_shared>> -> memref<128x64xf32, #tpu.memory_space<vmem_shared>>
      tpu.enqueue_dma source(%arg11 : memref<128x64xf32, #tpu.memory_space<vmem>>) target(%dma_start3A_362 : memref<128x64xf32, #tpu.memory_space<vmem_shared>>) target_semaphore(%arg25 : memref<!tpu.dma_semaphore, #tpu.memory_space<semaphore_mem>>)
      %dma_wait3A_363 = arith.constant 1 : i32
      %dma_wait3A_364 = arith.constant 0 : i32
      %dma_wait3A_365 = arith.constant 0 : i32
      %dma_wait3A_366 = tpu.memref_slice %arg14[%arg1, %dma_wait3A_363, %dma_wait3A_364, %dma_wait3A_365] : memref<16x4x128x64xf32, #tpu.memory_space<vmem_shared>> -> memref<1x1x128x64xf32, #tpu.memory_space<vmem_shared>>
      %dma_wait3A_367 = tpu.memref_squeeze %dma_wait3A_366 : memref<1x1x128x64xf32, #tpu.memory_space<vmem_shared>> -> memref<128x64xf32, #tpu.memory_space<vmem_shared>>
      %dma_wait3A_368 = arith.constant 0 : i32
      %dma_wait3A_369 = arith.constant 0 : i32
      %dma_wait3A_370 = tpu.memref_slice %arg14[%arg1, %dma_wait3A_363, %dma_wait3A_368, %dma_wait3A_369] : memref<16x4x128x64xf32, #tpu.memory_space<vmem_shared>> -> memref<1x1x128x64xf32, #tpu.memory_space<vmem_shared>>
      %dma_wait3A_371 = tpu.memref_squeeze %dma_wait3A_370 : memref<1x1x128x64xf32, #tpu.memory_space<vmem_shared>> -> memref<128x64xf32, #tpu.memory_space<vmem_shared>>
      tpu.wait_dma2 semaphore(%arg25 : memref<!tpu.dma_semaphore, #tpu.memory_space<semaphore_mem>>) src(%arg11 : memref<128x64xf32, #tpu.memory_space<vmem>>) dst(%dma_wait3A_371 : memref<128x64xf32, #tpu.memory_space<vmem_shared>>)
      %add3A_372 = arith.constant 5 : i32
      %add3A_373 = arith.addi %mul3A_106, %add3A_372 : i32
      %mul3A_374 = arith.constant 128 : i32
      %mul3A_375 = arith.muli %add3A_373, %mul3A_374 : i32
      %add3A_376 = arith.addi %mul3A_6, %mul3A_375 : i32
      %dma_start3A_377 = arith.constant 1 : i32
      %dma_start3A_378 = arith.constant 0 : i32
      %dma_start3A_379 = tpu.memref_slice %arg4[%add3A_376, %dma_start3A_378] : memref<819200x64xf32, #tpu.memory_space<hbm>> -> memref<128x64xf32, #tpu.memory_space<hbm>>
      %dma_start3A_380 = arith.constant 0 : i32
      %dma_start3A_381 = arith.constant 0 : i32
      %dma_start3A_382 = tpu.memref_slice %arg14[%arg1, %dma_start3A_377, %dma_start3A_380, %dma_start3A_381] : memref<16x4x128x64xf32, #tpu.memory_space<vmem_shared>> -> memref<1x1x128x64xf32, #tpu.memory_space<vmem_shared>>
      %dma_start3A_383 = tpu.memref_squeeze %dma_start3A_382 : memref<1x1x128x64xf32, #tpu.memory_space<vmem_shared>> -> memref<128x64xf32, #tpu.memory_space<vmem_shared>>
      tpu.enqueue_dma source(%dma_start3A_383 : memref<128x64xf32, #tpu.memory_space<vmem_shared>>) target(%dma_start3A_379 : memref<128x64xf32, #tpu.memory_space<hbm>>) target_semaphore(%arg29 : memref<!tpu.dma_semaphore, #tpu.memory_space<semaphore_mem>>)
      %lt3A_384 = arith.constant 24 : i32
      %lt3A_385 = arith.cmpi slt, %scan3A_103, %lt3A_384 : i32
      %convert_element_type3A_386 = arith.extui %lt3A_385 : i1 to i32
      %cond3A_387 = arith.constant 0 : i32
      %cond3A_388 = arith.cmpi ne, %convert_element_type3A_386, %cond3A_387 : i32
      scf.if %cond3A_388 {
        %add3A_488 = arith.constant 8 : i32
        %add3A_489 = arith.addi %mul3A_106, %add3A_488 : i32
        %add3A_490 = arith.constant 5 : i32
        %add3A_491 = arith.addi %add3A_489, %add3A_490 : i32
        %dma_start3A_492 = arith.constant 0 : i32
        %dma_start3A_493 = tpu.memref_slice %arg5[%add3A_491, %dma_start3A_492] : memref<200x128xi32, #tpu.memory_space<vmem>> -> memref<1x128xi32, #tpu.memory_space<vmem>>
        %dma_start3A_494 = tpu.memref_squeeze %dma_start3A_493 : memref<1x128xi32, #tpu.memory_space<vmem>> -> memref<128xi32, #tpu.memory_space<vmem>>
        %dma_start3A_495 = arith.constant 0 : i32
        %dma_start3A_496 = arith.constant 0 : i32
        %dma_start3A_497 = tpu.memref_slice %arg3[%dma_start3A_495, %dma_start3A_496] : memref<1000000x64xf32, #tpu.memory_space<hbm>> -> memref<1000000x64xf32, #tpu.memory_space<hbm>>
        tpu.enqueue_indirect_dma source(%dma_start3A_497 : memref<1000000x64xf32, #tpu.memory_space<hbm>>) target(%arg11 : memref<128x64xf32, #tpu.memory_space<vmem>>) offsets(%dma_start3A_494 : memref<128xi32, #tpu.memory_space<vmem>>) semaphore(%arg21 : memref<!tpu.dma_semaphore, #tpu.memory_space<semaphore_mem>>)
      } else {
      }
      %dma_wait3A_389 = arith.constant 0 : i32
      %dma_wait3A_390 = arith.constant 0 : i32
      %dma_wait3A_391 = tpu.memref_slice %arg5[%dma_wait3A_389, %dma_wait3A_390] : memref<200x128xi32, #tpu.memory_space<vmem>> -> memref<1x128xi32, #tpu.memory_space<vmem>>
      %dma_wait3A_392 = tpu.memref_squeeze %dma_wait3A_391 : memref<1x128xi32, #tpu.memory_space<vmem>> -> memref<128xi32, #tpu.memory_space<vmem>>
      %dma_wait3A_393 = arith.constant 0 : i32
      %dma_wait3A_394 = arith.constant 0 : i32
      %dma_wait3A_395 = tpu.memref_slice %arg3[%dma_wait3A_393, %dma_wait3A_394] : memref<1000000x64xf32, #tpu.memory_space<hbm>> -> memref<1000000x64xf32, #tpu.memory_space<hbm>>
      tpu.wait_indirect_dma semaphore(%arg22 : memref<!tpu.dma_semaphore, #tpu.memory_space<semaphore_mem>>) src(%dma_wait3A_395 : memref<1000000x64xf32, #tpu.memory_space<hbm>>) dst(%arg12 : memref<128x64xf32, #tpu.memory_space<vmem>>)
      %dma_wait3A_396 = arith.constant 2 : i32
      %dma_wait3A_397 = arith.constant 0 : i32
      %dma_wait3A_398 = tpu.memref_slice %arg4[%mul3A_6, %dma_wait3A_397] : memref<819200x64xf32, #tpu.memory_space<hbm>> -> memref<128x64xf32, #tpu.memory_space<hbm>>
      %dma_wait3A_399 = arith.constant 0 : i32
      %dma_wait3A_400 = arith.constant 0 : i32
      %dma_wait3A_401 = tpu.memref_slice %arg14[%arg1, %dma_wait3A_396, %dma_wait3A_399, %dma_wait3A_400] : memref<16x4x128x64xf32, #tpu.memory_space<vmem_shared>> -> memref<1x1x128x64xf32, #tpu.memory_space<vmem_shared>>
      %dma_wait3A_402 = tpu.memref_squeeze %dma_wait3A_401 : memref<1x1x128x64xf32, #tpu.memory_space<vmem_shared>> -> memref<128x64xf32, #tpu.memory_space<vmem_shared>>
      tpu.wait_dma2 semaphore(%arg30 : memref<!tpu.dma_semaphore, #tpu.memory_space<semaphore_mem>>) src(%dma_wait3A_402 : memref<128x64xf32, #tpu.memory_space<vmem_shared>>) dst(%dma_wait3A_398 : memref<128x64xf32, #tpu.memory_space<hbm>>)
      %dma_start3A_403 = arith.constant 2 : i32
      %dma_start3A_404 = arith.constant 0 : i32
      %dma_start3A_405 = arith.constant 0 : i32
      %dma_start3A_406 = tpu.memref_slice %arg14[%arg1, %dma_start3A_403, %dma_start3A_404, %dma_start3A_405] : memref<16x4x128x64xf32, #tpu.memory_space<vmem_shared>> -> memref<1x1x128x64xf32, #tpu.memory_space<vmem_shared>>
      %dma_start3A_407 = tpu.memref_squeeze %dma_start3A_406 : memref<1x1x128x64xf32, #tpu.memory_space<vmem_shared>> -> memref<128x64xf32, #tpu.memory_space<vmem_shared>>
      %dma_start3A_408 = arith.constant 0 : i32
      %dma_start3A_409 = arith.constant 0 : i32
      %dma_start3A_410 = tpu.memref_slice %arg14[%arg1, %dma_start3A_403, %dma_start3A_408, %dma_start3A_409] : memref<16x4x128x64xf32, #tpu.memory_space<vmem_shared>> -> memref<1x1x128x64xf32, #tpu.memory_space<vmem_shared>>
      %dma_start3A_411 = tpu.memref_squeeze %dma_start3A_410 : memref<1x1x128x64xf32, #tpu.memory_space<vmem_shared>> -> memref<128x64xf32, #tpu.memory_space<vmem_shared>>
      tpu.enqueue_dma source(%arg12 : memref<128x64xf32, #tpu.memory_space<vmem>>) target(%dma_start3A_411 : memref<128x64xf32, #tpu.memory_space<vmem_shared>>) target_semaphore(%arg26 : memref<!tpu.dma_semaphore, #tpu.memory_space<semaphore_mem>>)
      %dma_wait3A_412 = arith.constant 2 : i32
      %dma_wait3A_413 = arith.constant 0 : i32
      %dma_wait3A_414 = arith.constant 0 : i32
      %dma_wait3A_415 = tpu.memref_slice %arg14[%arg1, %dma_wait3A_412, %dma_wait3A_413, %dma_wait3A_414] : memref<16x4x128x64xf32, #tpu.memory_space<vmem_shared>> -> memref<1x1x128x64xf32, #tpu.memory_space<vmem_shared>>
      %dma_wait3A_416 = tpu.memref_squeeze %dma_wait3A_415 : memref<1x1x128x64xf32, #tpu.memory_space<vmem_shared>> -> memref<128x64xf32, #tpu.memory_space<vmem_shared>>
      %dma_wait3A_417 = arith.constant 0 : i32
      %dma_wait3A_418 = arith.constant 0 : i32
      %dma_wait3A_419 = tpu.memref_slice %arg14[%arg1, %dma_wait3A_412, %dma_wait3A_417, %dma_wait3A_418] : memref<16x4x128x64xf32, #tpu.memory_space<vmem_shared>> -> memref<1x1x128x64xf32, #tpu.memory_space<vmem_shared>>
      %dma_wait3A_420 = tpu.memref_squeeze %dma_wait3A_419 : memref<1x1x128x64xf32, #tpu.memory_space<vmem_shared>> -> memref<128x64xf32, #tpu.memory_space<vmem_shared>>
      tpu.wait_dma2 semaphore(%arg26 : memref<!tpu.dma_semaphore, #tpu.memory_space<semaphore_mem>>) src(%arg12 : memref<128x64xf32, #tpu.memory_space<vmem>>) dst(%dma_wait3A_420 : memref<128x64xf32, #tpu.memory_space<vmem_shared>>)
      %add3A_421 = arith.constant 6 : i32
      %add3A_422 = arith.addi %mul3A_106, %add3A_421 : i32
      %mul3A_423 = arith.constant 128 : i32
      %mul3A_424 = arith.muli %add3A_422, %mul3A_423 : i32
      %add3A_425 = arith.addi %mul3A_6, %mul3A_424 : i32
      %dma_start3A_426 = arith.constant 2 : i32
      %dma_start3A_427 = arith.constant 0 : i32
      %dma_start3A_428 = tpu.memref_slice %arg4[%add3A_425, %dma_start3A_427] : memref<819200x64xf32, #tpu.memory_space<hbm>> -> memref<128x64xf32, #tpu.memory_space<hbm>>
      %dma_start3A_429 = arith.constant 0 : i32
      %dma_start3A_430 = arith.constant 0 : i32
      %dma_start3A_431 = tpu.memref_slice %arg14[%arg1, %dma_start3A_426, %dma_start3A_429, %dma_start3A_430] : memref<16x4x128x64xf32, #tpu.memory_space<vmem_shared>> -> memref<1x1x128x64xf32, #tpu.memory_space<vmem_shared>>
      %dma_start3A_432 = tpu.memref_squeeze %dma_start3A_431 : memref<1x1x128x64xf32, #tpu.memory_space<vmem_shared>> -> memref<128x64xf32, #tpu.memory_space<vmem_shared>>
      tpu.enqueue_dma source(%dma_start3A_432 : memref<128x64xf32, #tpu.memory_space<vmem_shared>>) target(%dma_start3A_428 : memref<128x64xf32, #tpu.memory_space<hbm>>) target_semaphore(%arg30 : memref<!tpu.dma_semaphore, #tpu.memory_space<semaphore_mem>>)
      %lt3A_433 = arith.constant 24 : i32
      %lt3A_434 = arith.cmpi slt, %scan3A_103, %lt3A_433 : i32
      %convert_element_type3A_435 = arith.extui %lt3A_434 : i1 to i32
      %cond3A_436 = arith.constant 0 : i32
      %cond3A_437 = arith.cmpi ne, %convert_element_type3A_435, %cond3A_436 : i32
      scf.if %cond3A_437 {
        %add3A_488 = arith.constant 8 : i32
        %add3A_489 = arith.addi %mul3A_106, %add3A_488 : i32
        %add3A_490 = arith.constant 6 : i32
        %add3A_491 = arith.addi %add3A_489, %add3A_490 : i32
        %dma_start3A_492 = arith.constant 0 : i32
        %dma_start3A_493 = tpu.memref_slice %arg5[%add3A_491, %dma_start3A_492] : memref<200x128xi32, #tpu.memory_space<vmem>> -> memref<1x128xi32, #tpu.memory_space<vmem>>
        %dma_start3A_494 = tpu.memref_squeeze %dma_start3A_493 : memref<1x128xi32, #tpu.memory_space<vmem>> -> memref<128xi32, #tpu.memory_space<vmem>>
        %dma_start3A_495 = arith.constant 0 : i32
        %dma_start3A_496 = arith.constant 0 : i32
        %dma_start3A_497 = tpu.memref_slice %arg3[%dma_start3A_495, %dma_start3A_496] : memref<1000000x64xf32, #tpu.memory_space<hbm>> -> memref<1000000x64xf32, #tpu.memory_space<hbm>>
        tpu.enqueue_indirect_dma source(%dma_start3A_497 : memref<1000000x64xf32, #tpu.memory_space<hbm>>) target(%arg12 : memref<128x64xf32, #tpu.memory_space<vmem>>) offsets(%dma_start3A_494 : memref<128xi32, #tpu.memory_space<vmem>>) semaphore(%arg22 : memref<!tpu.dma_semaphore, #tpu.memory_space<semaphore_mem>>)
      } else {
      }
      %dma_wait3A_438 = arith.constant 0 : i32
      %dma_wait3A_439 = arith.constant 0 : i32
      %dma_wait3A_440 = tpu.memref_slice %arg5[%dma_wait3A_438, %dma_wait3A_439] : memref<200x128xi32, #tpu.memory_space<vmem>> -> memref<1x128xi32, #tpu.memory_space<vmem>>
      %dma_wait3A_441 = tpu.memref_squeeze %dma_wait3A_440 : memref<1x128xi32, #tpu.memory_space<vmem>> -> memref<128xi32, #tpu.memory_space<vmem>>
      %dma_wait3A_442 = arith.constant 0 : i32
      %dma_wait3A_443 = arith.constant 0 : i32
      %dma_wait3A_444 = tpu.memref_slice %arg3[%dma_wait3A_442, %dma_wait3A_443] : memref<1000000x64xf32, #tpu.memory_space<hbm>> -> memref<1000000x64xf32, #tpu.memory_space<hbm>>
      tpu.wait_indirect_dma semaphore(%arg23 : memref<!tpu.dma_semaphore, #tpu.memory_space<semaphore_mem>>) src(%dma_wait3A_444 : memref<1000000x64xf32, #tpu.memory_space<hbm>>) dst(%arg13 : memref<128x64xf32, #tpu.memory_space<vmem>>)
      %dma_wait3A_445 = arith.constant 3 : i32
      %dma_wait3A_446 = arith.constant 0 : i32
      %dma_wait3A_447 = tpu.memref_slice %arg4[%mul3A_6, %dma_wait3A_446] : memref<819200x64xf32, #tpu.memory_space<hbm>> -> memref<128x64xf32, #tpu.memory_space<hbm>>
      %dma_wait3A_448 = arith.constant 0 : i32
      %dma_wait3A_449 = arith.constant 0 : i32
      %dma_wait3A_450 = tpu.memref_slice %arg14[%arg1, %dma_wait3A_445, %dma_wait3A_448, %dma_wait3A_449] : memref<16x4x128x64xf32, #tpu.memory_space<vmem_shared>> -> memref<1x1x128x64xf32, #tpu.memory_space<vmem_shared>>
      %dma_wait3A_451 = tpu.memref_squeeze %dma_wait3A_450 : memref<1x1x128x64xf32, #tpu.memory_space<vmem_shared>> -> memref<128x64xf32, #tpu.memory_space<vmem_shared>>
      tpu.wait_dma2 semaphore(%arg31 : memref<!tpu.dma_semaphore, #tpu.memory_space<semaphore_mem>>) src(%dma_wait3A_451 : memref<128x64xf32, #tpu.memory_space<vmem_shared>>) dst(%dma_wait3A_447 : memref<128x64xf32, #tpu.memory_space<hbm>>)
      %dma_start3A_452 = arith.constant 3 : i32
      %dma_start3A_453 = arith.constant 0 : i32
      %dma_start3A_454 = arith.constant 0 : i32
      %dma_start3A_455 = tpu.memref_slice %arg14[%arg1, %dma_start3A_452, %dma_start3A_453, %dma_start3A_454] : memref<16x4x128x64xf32, #tpu.memory_space<vmem_shared>> -> memref<1x1x128x64xf32, #tpu.memory_space<vmem_shared>>
      %dma_start3A_456 = tpu.memref_squeeze %dma_start3A_455 : memref<1x1x128x64xf32, #tpu.memory_space<vmem_shared>> -> memref<128x64xf32, #tpu.memory_space<vmem_shared>>
      %dma_start3A_457 = arith.constant 0 : i32
      %dma_start3A_458 = arith.constant 0 : i32
      %dma_start3A_459 = tpu.memref_slice %arg14[%arg1, %dma_start3A_452, %dma_start3A_457, %dma_start3A_458] : memref<16x4x128x64xf32, #tpu.memory_space<vmem_shared>> -> memref<1x1x128x64xf32, #tpu.memory_space<vmem_shared>>
      %dma_start3A_460 = tpu.memref_squeeze %dma_start3A_459 : memref<1x1x128x64xf32, #tpu.memory_space<vmem_shared>> -> memref<128x64xf32, #tpu.memory_space<vmem_shared>>
      tpu.enqueue_dma source(%arg13 : memref<128x64xf32, #tpu.memory_space<vmem>>) target(%dma_start3A_460 : memref<128x64xf32, #tpu.memory_space<vmem_shared>>) target_semaphore(%arg27 : memref<!tpu.dma_semaphore, #tpu.memory_space<semaphore_mem>>)
      %dma_wait3A_461 = arith.constant 3 : i32
      %dma_wait3A_462 = arith.constant 0 : i32
      %dma_wait3A_463 = arith.constant 0 : i32
      %dma_wait3A_464 = tpu.memref_slice %arg14[%arg1, %dma_wait3A_461, %dma_wait3A_462, %dma_wait3A_463] : memref<16x4x128x64xf32, #tpu.memory_space<vmem_shared>> -> memref<1x1x128x64xf32, #tpu.memory_space<vmem_shared>>
      %dma_wait3A_465 = tpu.memref_squeeze %dma_wait3A_464 : memref<1x1x128x64xf32, #tpu.memory_space<vmem_shared>> -> memref<128x64xf32, #tpu.memory_space<vmem_shared>>
      %dma_wait3A_466 = arith.constant 0 : i32
      %dma_wait3A_467 = arith.constant 0 : i32
      %dma_wait3A_468 = tpu.memref_slice %arg14[%arg1, %dma_wait3A_461, %dma_wait3A_466, %dma_wait3A_467] : memref<16x4x128x64xf32, #tpu.memory_space<vmem_shared>> -> memref<1x1x128x64xf32, #tpu.memory_space<vmem_shared>>
      %dma_wait3A_469 = tpu.memref_squeeze %dma_wait3A_468 : memref<1x1x128x64xf32, #tpu.memory_space<vmem_shared>> -> memref<128x64xf32, #tpu.memory_space<vmem_shared>>
      tpu.wait_dma2 semaphore(%arg27 : memref<!tpu.dma_semaphore, #tpu.memory_space<semaphore_mem>>) src(%arg13 : memref<128x64xf32, #tpu.memory_space<vmem>>) dst(%dma_wait3A_469 : memref<128x64xf32, #tpu.memory_space<vmem_shared>>)
      %add3A_470 = arith.constant 7 : i32
      %add3A_471 = arith.addi %mul3A_106, %add3A_470 : i32
      %mul3A_472 = arith.constant 128 : i32
      %mul3A_473 = arith.muli %add3A_471, %mul3A_472 : i32
      %add3A_474 = arith.addi %mul3A_6, %mul3A_473 : i32
      %dma_start3A_475 = arith.constant 3 : i32
      %dma_start3A_476 = arith.constant 0 : i32
      %dma_start3A_477 = tpu.memref_slice %arg4[%add3A_474, %dma_start3A_476] : memref<819200x64xf32, #tpu.memory_space<hbm>> -> memref<128x64xf32, #tpu.memory_space<hbm>>
      %dma_start3A_478 = arith.constant 0 : i32
      %dma_start3A_479 = arith.constant 0 : i32
      %dma_start3A_480 = tpu.memref_slice %arg14[%arg1, %dma_start3A_475, %dma_start3A_478, %dma_start3A_479] : memref<16x4x128x64xf32, #tpu.memory_space<vmem_shared>> -> memref<1x1x128x64xf32, #tpu.memory_space<vmem_shared>>
      %dma_start3A_481 = tpu.memref_squeeze %dma_start3A_480 : memref<1x1x128x64xf32, #tpu.memory_space<vmem_shared>> -> memref<128x64xf32, #tpu.memory_space<vmem_shared>>
      tpu.enqueue_dma source(%dma_start3A_481 : memref<128x64xf32, #tpu.memory_space<vmem_shared>>) target(%dma_start3A_477 : memref<128x64xf32, #tpu.memory_space<hbm>>) target_semaphore(%arg31 : memref<!tpu.dma_semaphore, #tpu.memory_space<semaphore_mem>>)
      %lt3A_482 = arith.constant 24 : i32
      %lt3A_483 = arith.cmpi slt, %scan3A_103, %lt3A_482 : i32
      %convert_element_type3A_484 = arith.extui %lt3A_483 : i1 to i32
      %cond3A_485 = arith.constant 0 : i32
      %cond3A_486 = arith.cmpi ne, %convert_element_type3A_484, %cond3A_485 : i32
      scf.if %cond3A_486 {
        %add3A_488 = arith.constant 8 : i32
        %add3A_489 = arith.addi %mul3A_106, %add3A_488 : i32
        %add3A_490 = arith.constant 7 : i32
        %add3A_491 = arith.addi %add3A_489, %add3A_490 : i32
        %dma_start3A_492 = arith.constant 0 : i32
        %dma_start3A_493 = tpu.memref_slice %arg5[%add3A_491, %dma_start3A_492] : memref<200x128xi32, #tpu.memory_space<vmem>> -> memref<1x128xi32, #tpu.memory_space<vmem>>
        %dma_start3A_494 = tpu.memref_squeeze %dma_start3A_493 : memref<1x128xi32, #tpu.memory_space<vmem>> -> memref<128xi32, #tpu.memory_space<vmem>>
        %dma_start3A_495 = arith.constant 0 : i32
        %dma_start3A_496 = arith.constant 0 : i32
        %dma_start3A_497 = tpu.memref_slice %arg3[%dma_start3A_495, %dma_start3A_496] : memref<1000000x64xf32, #tpu.memory_space<hbm>> -> memref<1000000x64xf32, #tpu.memory_space<hbm>>
        tpu.enqueue_indirect_dma source(%dma_start3A_497 : memref<1000000x64xf32, #tpu.memory_space<hbm>>) target(%arg13 : memref<128x64xf32, #tpu.memory_space<vmem>>) offsets(%dma_start3A_494 : memref<128xi32, #tpu.memory_space<vmem>>) semaphore(%arg23 : memref<!tpu.dma_semaphore, #tpu.memory_space<semaphore_mem>>)
      } else {
      }
      %scan3A_487 = arith.constant 0 : i32
      scf.yield %scan3A_487 : i32
    }
    %scan3A_74 = arith.constant 25 : i32
    %dma_wait3A_75 = arith.constant 0 : i32
    %dma_wait3A_76 = arith.constant 0 : i32
    %dma_wait3A_77 = tpu.memref_slice %arg4[%mul3A_6, %dma_wait3A_76] : memref<819200x64xf32, #tpu.memory_space<hbm>> -> memref<128x64xf32, #tpu.memory_space<hbm>>
    %dma_wait3A_78 = arith.constant 0 : i32
    %dma_wait3A_79 = arith.constant 0 : i32
    %dma_wait3A_80 = tpu.memref_slice %arg14[%arg1, %dma_wait3A_75, %dma_wait3A_78, %dma_wait3A_79] : memref<16x4x128x64xf32, #tpu.memory_space<vmem_shared>> -> memref<1x1x128x64xf32, #tpu.memory_space<vmem_shared>>
    %dma_wait3A_81 = tpu.memref_squeeze %dma_wait3A_80 : memref<1x1x128x64xf32, #tpu.memory_space<vmem_shared>> -> memref<128x64xf32, #tpu.memory_space<vmem_shared>>
    tpu.wait_dma2 semaphore(%arg28 : memref<!tpu.dma_semaphore, #tpu.memory_space<semaphore_mem>>) src(%dma_wait3A_81 : memref<128x64xf32, #tpu.memory_space<vmem_shared>>) dst(%dma_wait3A_77 : memref<128x64xf32, #tpu.memory_space<hbm>>)
    %dma_wait3A_82 = arith.constant 1 : i32
    %dma_wait3A_83 = arith.constant 0 : i32
    %dma_wait3A_84 = tpu.memref_slice %arg4[%mul3A_6, %dma_wait3A_83] : memref<819200x64xf32, #tpu.memory_space<hbm>> -> memref<128x64xf32, #tpu.memory_space<hbm>>
    %dma_wait3A_85 = arith.constant 0 : i32
    %dma_wait3A_86 = arith.constant 0 : i32
    %dma_wait3A_87 = tpu.memref_slice %arg14[%arg1, %dma_wait3A_82, %dma_wait3A_85, %dma_wait3A_86] : memref<16x4x128x64xf32, #tpu.memory_space<vmem_shared>> -> memref<1x1x128x64xf32, #tpu.memory_space<vmem_shared>>
    %dma_wait3A_88 = tpu.memref_squeeze %dma_wait3A_87 : memref<1x1x128x64xf32, #tpu.memory_space<vmem_shared>> -> memref<128x64xf32, #tpu.memory_space<vmem_shared>>
    tpu.wait_dma2 semaphore(%arg29 : memref<!tpu.dma_semaphore, #tpu.memory_space<semaphore_mem>>) src(%dma_wait3A_88 : memref<128x64xf32, #tpu.memory_space<vmem_shared>>) dst(%dma_wait3A_84 : memref<128x64xf32, #tpu.memory_space<hbm>>)
    %dma_wait3A_89 = arith.constant 2 : i32
    %dma_wait3A_90 = arith.constant 0 : i32
    %dma_wait3A_91 = tpu.memref_slice %arg4[%mul3A_6, %dma_wait3A_90] : memref<819200x64xf32, #tpu.memory_space<hbm>> -> memref<128x64xf32, #tpu.memory_space<hbm>>
    %dma_wait3A_92 = arith.constant 0 : i32
    %dma_wait3A_93 = arith.constant 0 : i32
    %dma_wait3A_94 = tpu.memref_slice %arg14[%arg1, %dma_wait3A_89, %dma_wait3A_92, %dma_wait3A_93] : memref<16x4x128x64xf32, #tpu.memory_space<vmem_shared>> -> memref<1x1x128x64xf32, #tpu.memory_space<vmem_shared>>
    %dma_wait3A_95 = tpu.memref_squeeze %dma_wait3A_94 : memref<1x1x128x64xf32, #tpu.memory_space<vmem_shared>> -> memref<128x64xf32, #tpu.memory_space<vmem_shared>>
    tpu.wait_dma2 semaphore(%arg30 : memref<!tpu.dma_semaphore, #tpu.memory_space<semaphore_mem>>) src(%dma_wait3A_95 : memref<128x64xf32, #tpu.memory_space<vmem_shared>>) dst(%dma_wait3A_91 : memref<128x64xf32, #tpu.memory_space<hbm>>)
    %dma_wait3A_96 = arith.constant 3 : i32
    %dma_wait3A_97 = arith.constant 0 : i32
    %dma_wait3A_98 = tpu.memref_slice %arg4[%mul3A_6, %dma_wait3A_97] : memref<819200x64xf32, #tpu.memory_space<hbm>> -> memref<128x64xf32, #tpu.memory_space<hbm>>
    %dma_wait3A_99 = arith.constant 0 : i32
    %dma_wait3A_100 = arith.constant 0 : i32
    %dma_wait3A_101 = tpu.memref_slice %arg14[%arg1, %dma_wait3A_96, %dma_wait3A_99, %dma_wait3A_100] : memref<16x4x128x64xf32, #tpu.memory_space<vmem_shared>> -> memref<1x1x128x64xf32, #tpu.memory_space<vmem_shared>>
    %dma_wait3A_102 = tpu.memref_squeeze %dma_wait3A_101 : memref<1x1x128x64xf32, #tpu.memory_space<vmem_shared>> -> memref<128x64xf32, #tpu.memory_space<vmem_shared>>
    tpu.wait_dma2 semaphore(%arg31 : memref<!tpu.dma_semaphore, #tpu.memory_space<semaphore_mem>>) src(%dma_wait3A_102 : memref<128x64xf32, #tpu.memory_space<vmem_shared>>) dst(%dma_wait3A_98 : memref<128x64xf32, #tpu.memory_space<hbm>>)
    return
  }
}

</mosaic_0001>

<sc_bundles>
// kernel: kernel.3.cloned.1.call-start
scs
__scs_entry_jumppad:
0x0: {  	(pc) =	sbr.rel $0x88, $3  }
0x1: {  	(tag) =	ssettag $0x0;
	lr =	simm.s32 $0x1  }
0x2: {  	[smem:$0x3F9F] =	sst lr;
	_ =	strace $0xD0000000  }
0x3: {  	_ = 	snop  }
0x4: {  	_ = 	snop  }
0x5: {  	_ = 	snop  }
0x6: {  	_ = 	snop  }
0x7: {  	_ = 	snop  }
__scs_overlays_trampoline_lowered:
0x8: {  	[smem:$0x3FAE] =	sst s0  }
0x9: {  	[smem:$0x3FAF] =	sst s1  }
0xa: {  	[smem:$0x3FB0] =	sst s2  }
0xb: {  	[smem:$0x3FB1] =	sst s3  }
0xc: {  	[smem:$0x3FB2] =	sst s4  }
0xd: {  	[smem:$0x3FB3] =	sst s5  }
0xe: {  	[smem:$0x3FB4] =	sst s6  }
0xf: {  	[smem:$0x3FB5] =	sst s7  }
0x10: {  	[smem:$0x3FB6] =	sst s8  }
0x11: {  	[smem:$0x3FB7] =	sst s9;
	s0 =	simm.s32 @!p0 $0x0  }
0x12: {  	s1 =	sld [smem:$0x3F9D];
	s0 =	simm.s32 @p0 $0x1  }
0x13: {  	[smem:$0x3FB8] =	sst s0;
	s0 =	simm.s32 @!p1 $0x0  }
0x14: {  	s2 =	sld [smem:$0x3F9C];
	s0 =	simm.s32 @p1 $0x1  }
0x15: {  	[smem:$0x3FB9] =	sst s0;
	s0 =	simm.s32 @!p2 $0x0  }
0x16: {  	s3 =	sld [smem:$0x3FDB];
	s0 =	simm.s32 @p2 $0x1  }
0x17: {  	s4 =	simm.s32 $0x1BF5;
	[smem:$0x3FBB] =	sst s0  }
0x18: {  	s0 =	sld [smem:$0x3F9E];
	_ =	swait.ge [sflag:s4], $0x0  }
0x19: {  	s7 =	sld [smem:$0x3F9F]  }
0x1a: {  	s8 =	sadd.s32 $0xFFFFE003, lr  }
0x1b: {  	s9 =	sadd.s32 $0xFFFFFEF7, lr;
	s5 =	simm.s32 $0xFFFFFFFF;
	p2 =	slt.u32 s8, $0xFFFFF086  }
0x1c: {  	p1 =	slt.u32 s9, $0xF7A;
	s5 =	simm.s32 @!p2 $0x0  }
0x1d: {  	s5 =	simm.s32 @p1 $0x1;
	p0 =	seq.s32 s7, s2  }
0x1e: {  	s7 =	smul.u32 @!p0 $0xF7A, s2;
	p2 =	seq.s32 @!p0 s5, $0x0  }
0x1f: {  	s9 =	smul.u32 $0xF7A, s1;
	s8 =	simm.s32 @!p0 $0x1BF5;
	p2 =	por !p2, p0  }
0x20: {  	[sflag:s8] =	ssyncset.s32 @!p0 $0xFFFFF086;
	s6 =	sadd.s32 @!p0 s3, s7;
	s7 =	simm.s32 @!p0 $0x108  }
0x21: {  	s3 =	sadd.s32 s3, s9;
	s6 =	sadd.s32 @!p0 $0x88, s6;
	s7 =	simm.s32 @p2 $0x1082  }
0x22: {  	[simem:s7], [sflag:s8] =	dma.local @!p0 [hbm:s6], $0xF7A  }
0x23: {  	s9 =	sor.u32 $0xD0000000, s2;
	s6 =	simm.s32 $0x108;
	_ =	swait.ge @!p0 [sflag:s8], $0x0  }
0x24: {  	s3 =	sadd.s32 $0x88, s3;
	s6 =	simm.s32 @!p1 $0x1082;
	[sflag:s4] =	ssyncset.s32 $0xFFFFF086  }
0x25: {  	[simem:s6], [sflag:s4] =	dma.local [hbm:s3], $0xF7A  }
0x26: {  	[smem:$0x3F9F] =	sst s1;
	(tag) =	ssettag s2;
	_ =	strace s9  }
0x27: {  	s1 =	sld [smem:$0x3FAF]  }
0x28: {  	s2 =	sld [smem:$0x3FB0]  }
0x29: {  	s4 =	sld [smem:$0x3FB2]  }
0x2a: {  	p0 =	seq.s32 s5, $0x0;
	s5 =	sld [smem:$0x3FB3]  }
0x2b: {  	s6 =	sld [smem:$0x3FB4]  }
0x2c: {  	s7 =	sld [smem:$0x3FB5]  }
0x2d: {  	s3 =	simm.s32 $0x108;
	s8 =	sld [smem:$0x3FB6]  }
0x2e: {  	s3 =	simm.s32 @!p0 $0x1082;
	s9 =	sld [smem:$0x3FB7]  }
0x2f: {  	lr =	sadd.s32 s0, s3;
	s0 =	sld [smem:$0x3FAE]  }
0x30: {  	s3 =	sld [smem:$0x3FB1]  }
0x31: {  	[smem:$0x3FBA] =	sst s10  }
0x32: {  	s10 =	sld [smem:$0x3FB8];
	_ =	sdelay $0x3  }
0x33: {  	p0 =	seq.s32 s10, $0x1;
	s10 =	sld [smem:$0x3FBA];
	_ =	sdelay $0x3  }
0x34: {  	[smem:$0x3FBA] =	sst s10  }
0x35: {  	s10 =	sld [smem:$0x3FB9];
	_ =	sdelay $0x3  }
0x36: {  	p1 =	seq.s32 s10, $0x1;
	s10 =	sld [smem:$0x3FBA];
	_ =	sdelay $0x3  }
0x37: {  	[smem:$0x3FBA] =	sst s10  }
0x38: {  	s10 =	sld [smem:$0x3FBB]  }
0x39: {  	_ = 	snop;
	(pc) =	sbr.ind lr, $3  }
0x3a: {  	_ = 	snop  }
0x3b: {  	_ = 	snop  }
0x3c: {  	p2 =	seq.s32 s10, $0x1;
	s10 =	sld [smem:$0x3FBA]  }
0x3d: {  	_ =	shalt  }
0x3e: {  	_ =	shalt  }
0x3f: {  	_ =	shalt  }
0x40: {  	_ =	shalt  }
0x41: {  	_ =	shalt  }
0x42: {  	_ =	shalt  }
0x43: {  	_ =	shalt  }
0x44: {  	_ =	shalt  }
0x45: {  	_ =	shalt  }
0x46: {  	_ =	shalt  }
0x47: {  	_ =	shalt  }
0x48: {  	_ =	shalt  }
0x49: {  	_ =	shalt  }
0x4a: {  	_ =	shalt  }
0x4b: {  	_ =	shalt  }
0x4c: {  	_ =	shalt  }
0x4d: {  	_ =	shalt  }
0x4e: {  	_ =	shalt  }
0x4f: {  	_ =	shalt  }
0x50: {  	_ =	shalt  }
0x51: {  	_ =	shalt  }
0x52: {  	_ =	shalt  }
0x53: {  	_ =	shalt  }
0x54: {  	_ =	shalt  }
0x55: {  	_ =	shalt  }
0x56: {  	_ =	shalt  }
0x57: {  	_ =	shalt  }
0x58: {  	_ =	shalt  }
0x59: {  	_ =	shalt  }
0x5a: {  	_ =	shalt  }
0x5b: {  	_ =	shalt  }
0x5c: {  	_ =	shalt  }
0x5d: {  	_ =	shalt  }
0x5e: {  	_ =	shalt  }
0x5f: {  	_ =	shalt  }
0x60: {  	_ =	shalt  }
0x61: {  	_ =	shalt  }
0x62: {  	_ =	shalt  }
0x63: {  	_ =	shalt  }
0x64: {  	_ =	shalt  }
0x65: {  	_ =	shalt  }
0x66: {  	_ =	shalt  }
0x67: {  	_ =	shalt  }
0x68: {  	_ =	shalt  }
0x69: {  	_ =	shalt  }
0x6a: {  	_ =	shalt  }
0x6b: {  	_ =	shalt  }
0x6c: {  	_ =	shalt  }
0x6d: {  	_ =	shalt  }
0x6e: {  	_ =	shalt  }
0x6f: {  	_ =	shalt  }
0x70: {  	_ =	shalt  }
0x71: {  	_ =	shalt  }
0x72: {  	_ =	shalt  }
0x73: {  	_ =	shalt  }
0x74: {  	_ =	shalt  }
0x75: {  	_ =	shalt  }
0x76: {  	_ =	shalt  }
0x77: {  	_ =	shalt  }
0x78: {  	_ =	shalt  }
0x79: {  	_ =	shalt  }
0x7a: {  	_ =	shalt  }
0x7b: {  	_ =	shalt  }
0x7c: {  	_ =	shalt  }
0x7d: {  	_ =	shalt  }
0x7e: {  	_ =	shalt  }
0x7f: {  	_ =	shalt  }
0x80: {  	_ =	shalt  }
0x81: {  	_ =	shalt  }
0x82: {  	_ =	shalt  }
0x83: {  	_ =	shalt  }
0x84: {  	_ =	shalt  }
0x85: {  	_ =	shalt  }
0x86: {  	_ =	shalt  }
0x87: {  	_ =	shalt  }
.Lfunc_end0:
.L_simem_size_0:
called_computation.1_lowered:
.L_overlay_start_0:
0x88: {  	s2 =	sld [smem:$0x3FD9]  }
0x89: {  	s3 =	sld [smem:$0x3FFE];
	_ =	sdelay $0x1  }
0x8a: {  	s1 =	srdreg.scid  }
0x8b: {  	s0 =	sand.u32 $0x1, s1  }
0x8c: {  	s17 =	sshll.u32 s0, $0xA;
	s2 =	sadd.s32 s3, s2  }
0x8d: {  	s2 =	sadd.s32 s2, s17  }
0x8e: {  	[smem:$0x3FC6] =	sst s2  }
0x8f: {  	_ = 	snop  }
0x90: {  	s2 =	sld [smem:$0x3FD0];
	(tm) =	ssettm $0x1  }
0x91: {  	s18 =	sld [smem:$0x3FFB];
	_ =	sdelay $0x3  }
0x92: {  	_ =	strace s18  }
0x93: {  	s3 =	sld [smem:$0x3FFC];
	_ =	sdelay $0x3  }
0x94: {  	_ =	strace s3  }
0x95: {  	s3 =	sld [smem:$0x3FFD];
	_ =	sdelay $0x3  }
0x96: {  	_ =	strace s3  }
0x97: {  	_ =	strace $0x8FFFFFFF  }
0x98: {  	s19 =	sld [smem:$0x3FDB];
	_ =	sdelay $0x1  }
0x99: {  	s4 =	simm.s32 $_scs_section_size  }
0x9a: {  	s5 =	simm.s32 $_size__tile_overlayer_lowered;
	s6 =	simm.s32 $_tile_overlayer_lowered  }
0x9b: {  	s22 =	simm.s32 $0x1BFF;
	s21 =	sshll.u32 s6, $0x1;
	s3 =	sadd.s32 s4, s19  }
0x9c: {  	s7 =	simm.s32 $0x0;
	s20 =	sshll.u32 s5, $0x1;
	s5 =	sadd.s32 s21, s3  }
0x9d: {  	[timem:s7], [sflag:s22] =	dma.local [hbm:s5], s20  }
0x9e: {  	_ =	swait.ge [sflag:s22], s20  }
0x9f: {  	s4 =	ssub.s32 $0x0, s20;
	[sflag:s22] =	ssyncset.done $0x0  }
0xa0: {  	[sflag:s22] =	ssyncadd.s32 s4;
	_ =	sdelay $0x1  }
0xa1: {  	s23 =	simm.s32 $0x1B8B  }
0xa2: {  	_ =	swait.ge [sflag:s23], $0x1  }
0xa3: {  	[sflag:s23] =	ssyncset.done $0x0  }
0xa4: {  	s25 =	simm.s32 $0x1B8E;
	s24 =	sld [smem:$0x3FFE];
	[sflag:s23] =	ssyncadd.s32 $0xFFFFFFFF  }
0xa5: {  	s26 =	simm.s32 $execute0_lowered;
	[smem:$0x3FD2] =	sst s25  }
0xa6: {  	s5 =	sshll.u32 s26, $0x1;
	_ =	strace $0x80000046;
	[dreg:$0x1] =	wrdreg $0xFFFFFFFF  }
0xa7: {  	s28 =	simm.s32 $_size_execute0_lowered;
	s3 =	sadd.s32 s3, s5;
	[dreg:$0x0] =	wrdreg $0x0  }
0xa8: {  	s5 =	sshll.u32 s28, $0x1;
	[dreg:$0x2] =	wrdreg s3  }
0xa9: {  	[dreg:$0x3] =	wrdreg s5  }
0xaa: {  	[dreg:$0x4] =	wrdreg $0xC0  }
0xab: {  	_ =	task [dreg:s7], $0x5FFFF  }
0xac: {  	[dreg:$0x1] =	wrdreg $0xFFFFFFFF  }
0xad: {  	[dreg:$0x0] =	wrdreg $0x60  }
0xae: {  	[dreg:$0x2] =	wrdreg s24  }
0xaf: {  	[dreg:$0x3] =	wrdreg s2  }
0xb0: {  	[dreg:$0x4] =	wrdreg $0x164000  }
0xb1: {  	[dreg:$0x5] =	wrdreg $0x9  }
0xb2: {  	_ =	task.clear_ibuf [dreg:s7], $0x6FFFF;
	_ =	strace $0x90000046  }
0xb3: {  	s29 =	simm.s32 $0x9;
	_ =	strace $0x80000048  }
0xb4: {  	_ =	swait.ge [sflag:s29], $0x1  }
0xb5: {  	[sflag:s29] =	ssyncadd.s32 $0xFFFFFFFF  }
0xb6: {  	_ =	strace $0x90000048  }
0xb7: {  	_ =	sfence  }
0xb8: {  	s30 =	sld [smem:$0x0];
	_ =	sdelay $0x2  }
0xb9: {  	s31 =	sshll.u32 s1, $0xD;
	s1 =	sshrl.u32 s1, $0x2  }
0xba: {  	s3 =	sand.u32 $0x4000, s31;
	s1 =	sadd.s32 s1, s30  }
0xbb: {  	s0 =	sor.u32 s3, s0;
	s1 =	sshll.u32 s1, $0x11  }
0xbc: {  	s0 =	sor.u32 s1, s0  }
0xbd: {  	s0 =	sadd.s32 $0x8F2B, s0  }
0xbe: {  	[sflag:s0] =	ssyncadd.remote.s32 $0x1  }
0xbf: {  	_ =	sfence.sel $0xFFFF  }
0xc0: {  	[dreg:$0x0] =	wrdreg $0xFFFFFFFF;
	(pc) =	sbr.abs _section_cstart, $3  }
0xc1: {  	[dreg:$0x1] =	wrdreg $0xFFFFFFFF  }
0xc2: {  	_ =	task.clear_ibuf [dreg:s7], $0x2FFFF;
	_ =	strace $0x9FFFFFFF  }
0xc3: {  	(tm) =	ssettm $0x7FFFFFFF  }
tec
execute0_lowered:
.L_overlay_start_1:
0x0: {  	(tag) =	ssettag $0x1  }
0x1: {  	s0 =	rddreg [dreg:$0x0];
	s1 =	srdreg.scid  }
0x2: {  	s6 =	stileid.u32;
	s2 =	rddreg [dreg:$0x2]  }
0x3: {  	s4 =	simm.s32 $0x0;
	s28 =	simm.s32 $0xA400;
	s13 =	simm.s32 $0x14400  }
0x4: {  	s30 =	simm.s32 $0xA;
	s29 =	simm.s32 $0xD;
	s31 =	simm.s32 $0x6  }
0x5: {  	s1 =	sand.u32 $0x1, s1;
	s3 =	sshll.u32 s6, $0x1;
	s10 =	smul.u32 $0x320000, s6  }
0x6: {  	[smem:$0x7FF] =	sst s4;
	s4 =	sadd.s32 $0xF42E00, s0;
	s9 =	smul.u32 $0xC800, s6  }
0x7: {  	s17 =	sshll.u32 s6, $0xF;
	s3 =	sor.u32 s1, s3;
	s11 =	smul.u32 $0x6400, s1  }
0x8: {  	_ =	strace $0x80000047;
	s5 =	ssub.s32 $0x2, s1;
	s1 =	smul.u32 $0x190000, s1  }
0x9: {  	s6 =	sadd.s32 s17, s2;
	s3 =	smul.u32 $0xC80, s3;
	s16 =	sshrl.u32 s5, $0x1  }
0xa: {  	s7 =	sadd.s32 $0x2000, s6;
	s8 =	sadd.s32 $0x4000, s6;
	s1 =	sadd.s32 s1, s10  }
0xb: {  	s18 =	sadd.s32 s11, s9;
	s3 =	sadd.s32 s3, s0;
	s19 =	sshrl.u32 s1, $0x3  }
0xc: {  	s0 =	ssub.s32 s5, s16;
	s3 =	sadd.s32 $0xA00, s3;
	[dreg:$0x6] =	wrdreg s19  }
0xd: {  	s2 =	sshll.u32 s18, $0x3;
	s0 =	smax.u32 s0, $0x1;
	[dreg:$0x4] =	wrdreg s3  }
0xe: {  	s9 =	sadd.s32 $0x6000, s6;
	s20 =	sor.u32 $0x1C00, s2;
	[dreg:$0x5] =	wrdreg s0  }
0xf: {  	s10 =	simm.s32 $0x10;
	s21 =	sor.u32 $0x1800, s2;
	[dreg:$0x7] =	wrdreg s20  }
0x10: {  	s5 =	simm.s32 $0x80;
	s22 =	sor.u32 $0x1400, s2;
	[dreg:$0x8] =	wrdreg s21  }
0x11: {  	s16 =	simm.s32 $0x6400;
	s23 =	sor.u32 $0x1000, s2;
	[dreg:$0x9] =	wrdreg s22  }
0x12: {  	s1 =	simm.s32 $0x0;
	s24 =	sor.u32 $0xC00, s2;
	[dreg:$0xa] =	wrdreg s23  }
.Ltmp0:
0x13: {  	s25 =	sor.u32 $0x800, s2;
	[dreg:$0xb] =	wrdreg s24;
	(pc) =	sbr.rel .LBB2_1-.Ltmp0, $4  }
0x14: {  	s26 =	sor.u32 $0x400, s2;
	s19 =	simm.s32 $0xC;
	[dreg:$0xc] =	wrdreg s25  }
0x15: {  	s2 =	simm.s32 $0xE;
	[dreg:$0xd] =	wrdreg s26;
	s20 =	simm.s32 $0x8400  }
0x16: {  	s23 =	simm.s32 $0xF;
	s3 =	simm.s32 $0xB;
	s26 =	simm.s32 $0x11  }
0x17: {  	s21 =	simm.s32 $0x7;
	s22 =	simm.s32 $0x8;
	s24 =	simm.s32 $0x9  }
.LBB2_16:
0x18: {  	_ =	swait.ge [sflag:s2], $0x400  }
0x19: {  	[sflag:s2] =	ssyncset.done $0x0  }
0x1a: {  	[sflag:s2] =	ssyncadd.s32 $0xFFFFFC00  }
0x1b: {  	_ =	swait.ge [sflag:s23], $0x400  }
0x1c: {  	[sflag:s23] =	ssyncset.done $0x0  }
0x1d: {  	[sflag:s23] =	ssyncadd.s32 $0xFFFFFC00  }
0x1e: {  	_ =	swait.ge [sflag:s10], $0x400  }
0x1f: {  	[sflag:s10] =	ssyncset.done $0x0  }
0x20: {  	[sflag:s10] =	ssyncadd.s32 $0xFFFFFC00  }
0x21: {  	_ =	swait.ge [sflag:s26], $0x400  }
0x22: {  	s1 =	rddreg [dreg:$0xe]  }
0x23: {  	s0 =	rddreg [dreg:$0x5];
	s1 =	sadd.s32 $0x1, s1  }
0x24: {  	p0 =	sne.s32 s1, s0  }
.Ltmp1:
0x25: {  	_ = 	snop;
	(pc) =	sbr.rel @!p0 .LBB2_17-.Ltmp1, $3  }
0x26: {  	_ =	sdelay $0x1  }
0x27: {  	s5 =	simm.s32 $0x80;
	s16 =	simm.s32 $0x6400;
	[sflag:s26] =	ssyncset.done $0x0  }
0x28: {  	s20 =	simm.s32 $0x8400;
	s28 =	simm.s32 $0xA400;
	[sflag:s26] =	ssyncadd.s32 $0xFFFFFC00  }
.LBB2_1:
0x29: {  	[dreg:$0xe] =	wrdreg s1  }
0x2a: {  	s0 =	simm.s32 $0x0;
	s14 =	rddreg [dreg:$0x4];
	s15 =	simm.s32 $0x1  }
0x2b: {  	[tilespmem:s0], [sflag:$0x1] =	stream.linear.gather [hbm4b:s14+s0], $0x6400, $0x38;
	[tilespmem:$0x1E400] =	vst v63  }
0x2c: {  	_ =	swait.ge [sflag:s15], $0x6400  }
0x2d: {  	[sflag:s15] =	ssyncset.done $0x0  }
0x2e: {  	[sflag:s15] =	ssyncadd.s32 $0xFFFF9C00  }
0x2f: {  	[tilespmem:s16], [sflag:$0x2] =	stream.indirect.gather [hbm4b:s4+s5], $0x40, s0, s5, $0xb8;
	[tilespmem:$0x1E400] =	vst v63  }
0x30: {  	_ = 	snop  }
0x31: {  	[tilespmem:s20], [sflag:$0x3] =	stream.indirect.gather [hbm4b:s4+s5], $0x40, s5, s5, $0xb8;
	[tilespmem:$0x1E400] =	vst v63  }
0x32: {  	s17 =	simm.s32 $0x100  }
0x33: {  	[tilespmem:s28], [sflag:$0x4] =	stream.indirect.gather [hbm4b:s4+s5], $0x40, s17, s5, $0xb8;
	[tilespmem:$0x1E400] =	vst v63  }
0x34: {  	s18 =	simm.s32 $0x180;
	s25 =	simm.s32 $0xC400  }
0x35: {  	[tilespmem:s25], [sflag:$0x5] =	stream.indirect.gather [hbm4b:s4+s5], $0x40, s18, s5, $0xb8;
	[tilespmem:$0x1E400] =	vst v63  }
0x36: {  	s11 =	simm.s32 $0x200;
	s12 =	simm.s32 $0xE400  }
0x37: {  	[tilespmem:s12], [sflag:$0x6] =	stream.indirect.gather [hbm4b:s4+s5], $0x40, s11, s5, $0xb8;
	[tilespmem:$0x1E400] =	vst v63  }
0x38: {  	s14 =	simm.s32 $0x280;
	s15 =	simm.s32 $0x10400  }
0x39: {  	[tilespmem:s15], [sflag:$0x7] =	stream.indirect.gather [hbm4b:s4+s5], $0x40, s14, s5, $0xb8;
	[tilespmem:$0x1E400] =	vst v63  }
0x3a: {  	s17 =	simm.s32 $0x300;
	s18 =	simm.s32 $0x12400  }
0x3b: {  	[tilespmem:s18], [sflag:$0x8] =	stream.indirect.gather [hbm4b:s4+s5], $0x40, s17, s5, $0xb8;
	[tilespmem:$0x1E400] =	vst v63  }
0x3c: {  	s25 =	simm.s32 $0x380;
	s11 =	rddreg [dreg:$0x1];
	s12 =	simm.s32 $0x0  }
0x3d: {  	[tilespmem:s13], [sflag:$0x9] =	stream.indirect.gather [hbm4b:s4+s5], $0x40, s25, s5, $0xb8;
	[tilespmem:$0x1E400] =	vst v63  }
.LBB2_2:
0x3e: {  	s0 =	simm.s32 $0x2  }
0x3f: {  	_ =	swait.ge [sflag:s0], $0x2000  }
0x40: {  	p0 =	seq.s32 s12, $0x0;
	[sflag:s0] =	ssyncset.done $0x0  }
0x41: {  	s13 =	simm.s32 @!p0 $0xE;
	[sflag:s0] =	ssyncadd.s32 $0xFFFFE000  }
0x42: {  	_ =	swait.ge @!p0 [sflag:s13], $0x400  }
0x43: {  	[sflag:s13] =	ssyncset.done @!p0 $0x0  }
0x44: {  	p1 =	sne.s32 s12, $0x18000;
	[sflag:s13] =	ssyncadd.s32 @!p0 $0xFFFFFC00  }
0x45: {  	[spmem:s6] =	stream.linear.scatter [tilespmem:s16], [sflag:$0xA], $0x2000, $0x38;
	[tilespmem:$0x1E400] =	vst v63  }
.Ltmp2:
0x46: {  	_ = 	snop;
	(pc) =	sbr.rel @p1 .LBB2_4-.Ltmp2, $4  }
0x47: {  	s18 =	stileid.u32;
	s14 =	sshrl.u32 s6, $0x3;
	_ =	swait.ge [sflag:s30], $0x2000  }
0x48: {  	s17 =	sshll.u32 s18, $0x6;
	[sflag:s30] =	ssyncset.done $0x0;
	s25 =	rddreg [dreg:$0x6]  }
0x49: {  	s13 =	sor.u32 $0x1C0E, s17;
	[sflag:s30] =	ssyncadd.s32 $0xFFFFE000;
	s15 =	sadd.s32 s11, s25  }
0x4a: {  	[hbm:s15], [sflag:s13] =	dma.local [spmem:s14], $0x400  }
.Ltmp3:
0x4b: {  	(pc) =	sbr.rel .LBB2_5-.Ltmp3, $4  }
0x4c: {  	s0 =	simm.s32 $0x3  }
0x4d: {  	_ =	swait.ge [sflag:s0], $0x2000  }
0x4e: {  	[sflag:s0] =	ssyncset.done $0x0  }
0x4f: {  	[sflag:s0] =	ssyncadd.s32 $0xFFFFE000  }
.LBB2_4:
0x50: {  	s15 =	sshra.s32 s12, $0x2  }
.Ltmp4:
0x51: {  	s0 =	simm.s32 $0x3;
	s15 =	sadd.s32 $0x400, s15;
	(pc) =	sbr.rel @p0 .LBB2_6-.Ltmp4, $4  }
0x52: {  	[tilespmem:s16], [sflag:$0x2] =	stream.indirect.gather [hbm4b:s4+s5], $0x40, s15, s5, $0xb8;
	[tilespmem:$0x1E400] =	vst v63  }
0x53: {  	_ =	swait.ge [sflag:s0], $0x2000  }
0x54: {  	[sflag:s0] =	ssyncset.done $0x0  }
0x55: {  	[sflag:s0] =	ssyncadd.s32 $0xFFFFE000  }
.LBB2_5:
0x56: {  	_ =	swait.ge [sflag:s23], $0x400  }
0x57: {  	[sflag:s23] =	ssyncset.done $0x0  }
0x58: {  	[sflag:s23] =	ssyncadd.s32 $0xFFFFFC00  }
.LBB2_6:
0x59: {  	[spmem:s7] =	stream.linear.scatter [tilespmem:s20], [sflag:$0xB], $0x2000, $0x38;
	[tilespmem:$0x1E400] =	vst v63  }
.Ltmp5:
0x5a: {  	_ = 	snop;
	(pc) =	sbr.rel @p1 .LBB2_8-.Ltmp5, $4  }
0x5b: {  	_ =	swait.ge [sflag:s3], $0x2000  }
0x5c: {  	s15 =	sor.u32 $0x1C0F, s17;
	[sflag:s3] =	ssyncset.done $0x0;
	s0 =	rddreg [dreg:$0xd]  }
0x5d: {  	s16 =	sshrl.u32 s7, $0x3;
	[sflag:s3] =	ssyncadd.s32 $0xFFFFE000;
	s18 =	sadd.s32 s11, s0  }
0x5e: {  	[hbm:s18], [sflag:s15] =	dma.local [spmem:s16], $0x400  }
.Ltmp6:
0x5f: {  	(pc) =	sbr.rel .LBB2_9-.Ltmp6, $4  }
0x60: {  	s0 =	simm.s32 $0x4  }
0x61: {  	_ =	swait.ge [sflag:s0], $0x2000  }
0x62: {  	[sflag:s0] =	ssyncset.done $0x0  }
0x63: {  	[sflag:s0] =	ssyncadd.s32 $0xFFFFE000  }
.LBB2_8:
0x64: {  	s18 =	sshra.s32 s12, $0x2  }
.Ltmp7:
0x65: {  	s0 =	simm.s32 $0x4;
	s18 =	sadd.s32 $0x480, s18;
	(pc) =	sbr.rel @p0 .LBB2_10-.Ltmp7, $4  }
0x66: {  	[tilespmem:s20], [sflag:$0x3] =	stream.indirect.gather [hbm4b:s4+s5], $0x40, s18, s5, $0xb8;
	[tilespmem:$0x1E400] =	vst v63  }
0x67: {  	_ =	swait.ge [sflag:s0], $0x2000  }
0x68: {  	[sflag:s0] =	ssyncset.done $0x0  }
0x69: {  	[sflag:s0] =	ssyncadd.s32 $0xFFFFE000  }
.LBB2_9:
0x6a: {  	_ =	swait.ge [sflag:s10], $0x400  }
0x6b: {  	[sflag:s10] =	ssyncset.done $0x0  }
0x6c: {  	[sflag:s10] =	ssyncadd.s32 $0xFFFFFC00  }
.LBB2_10:
0x6d: {  	[spmem:s8] =	stream.linear.scatter [tilespmem:s28], [sflag:$0xC], $0x2000, $0x38;
	[tilespmem:$0x1E400] =	vst v63  }
.Ltmp8:
0x6e: {  	_ = 	snop;
	(pc) =	sbr.rel @p1 .LBB2_12-.Ltmp8, $4  }
0x6f: {  	_ =	swait.ge [sflag:s19], $0x2000  }
0x70: {  	s18 =	sor.u32 $0x1C10, s17;
	[sflag:s19] =	ssyncset.done $0x0;
	s0 =	rddreg [dreg:$0xc]  }
0x71: {  	s25 =	sshrl.u32 s8, $0x3;
	[sflag:s19] =	ssyncadd.s32 $0xFFFFE000;
	s20 =	sadd.s32 s11, s0  }
0x72: {  	[hbm:s20], [sflag:s18] =	dma.local [spmem:s25], $0x400  }
.Ltmp9:
0x73: {  	(pc) =	sbr.rel .LBB2_13-.Ltmp9, $4  }
0x74: {  	s0 =	simm.s32 $0x5  }
0x75: {  	_ =	swait.ge [sflag:s0], $0x2000  }
0x76: {  	[sflag:s0] =	ssyncset.done $0x0  }
0x77: {  	[sflag:s0] =	ssyncadd.s32 $0xFFFFE000  }
.LBB2_12:
0x78: {  	s20 =	sshra.s32 s12, $0x2  }
.Ltmp10:
0x79: {  	s0 =	simm.s32 $0x5;
	s20 =	sadd.s32 $0x500, s20;
	(pc) =	sbr.rel @p0 .LBB2_14-.Ltmp10, $4  }
0x7a: {  	[tilespmem:s28], [sflag:$0x4] =	stream.indirect.gather [hbm4b:s4+s5], $0x40, s20, s5, $0xb8;
	[tilespmem:$0x1E400] =	vst v63  }
0x7b: {  	_ =	swait.ge [sflag:s0], $0x2000  }
0x7c: {  	[sflag:s0] =	ssyncset.done $0x0  }
0x7d: {  	[sflag:s0] =	ssyncadd.s32 $0xFFFFE000  }
.LBB2_13:
0x7e: {  	_ =	swait.ge [sflag:s26], $0x400  }
0x7f: {  	[sflag:s26] =	ssyncset.done $0x0  }
0x80: {  	[sflag:s26] =	ssyncadd.s32 $0xFFFFFC00  }
.LBB2_14:
0x81: {  	s0 =	simm.s32 $0xC400  }
0x82: {  	[spmem:s9] =	stream.linear.scatter [tilespmem:s0], [sflag:$0xD], $0x2000, $0x38;
	[tilespmem:$0x1E400] =	vst v63  }
0x83: {  	p0 =	seq.s32 s12, $0x18000;
	_ =	swait.ge [sflag:s29], $0x2000  }
0x84: {  	s17 =	sor.u32 $0x1C11, s17;
	[sflag:s29] =	ssyncset.done $0x0;
	s28 =	rddreg [dreg:$0xb]  }
0x85: {  	s20 =	sshrl.u32 s9, $0x3;
	[sflag:s29] =	ssyncadd.s32 $0xFFFFE000;
	s28 =	sadd.s32 s11, s28  }
0x86: {  	[hbm:s28], [sflag:s17] =	dma.local [spmem:s20], $0x400  }
0x87: {  	s28 =	sshra.s32 @!p0 s12, $0x2  }
0x88: {  	s5 =	simm.s32 @!p0 $0x80;
	s0 =	simm.s32 @!p0 $0xC400;
	s1 =	sadd.s32 @!p0 $0x580, s28  }
0x89: {  	[tilespmem:s0], [sflag:$0x5] =	stream.indirect.gather @!p0 [hbm4b:s4+s5], $0x40, s1, s5, $0xb8;
	[tilespmem:$0x1E400] =	vst v63  }
0x8a: {  	_ =	swait.ge [sflag:s31], $0x2000  }
0x8b: {  	[sflag:s31] =	ssyncset.done $0x0  }
0x8c: {  	[sflag:s31] =	ssyncadd.s32 $0xFFFFE000  }
0x8d: {  	_ =	swait.ge [sflag:s2], $0x400  }
0x8e: {  	[sflag:s2] =	ssyncset.done $0x0  }
0x8f: {  	s1 =	simm.s32 $0xE400;
	[sflag:s2] =	ssyncadd.s32 $0xFFFFFC00  }
0x90: {  	[spmem:s6] =	stream.linear.scatter [tilespmem:s1], [sflag:$0xA], $0x2000, $0x38;
	[tilespmem:$0x1E400] =	vst v63  }
0x91: {  	_ =	swait.ge [sflag:s30], $0x2000  }
0x92: {  	[sflag:s30] =	ssyncset.done $0x0;
	s1 =	rddreg [dreg:$0xa]  }
0x93: {  	[sflag:s30] =	ssyncadd.s32 $0xFFFFE000;
	s0 =	sadd.s32 s11, s1  }
0x94: {  	[hbm:s0], [sflag:s13] =	dma.local [spmem:s14], $0x400  }
0x95: {  	s1 =	simm.s32 @!p0 $0xE400;
	s0 =	sadd.s32 @!p0 $0x600, s28  }
0x96: {  	[tilespmem:s1], [sflag:$0x6] =	stream.indirect.gather @!p0 [hbm4b:s4+s5], $0x40, s0, s5, $0xb8;
	[tilespmem:$0x1E400] =	vst v63  }
0x97: {  	_ =	swait.ge [sflag:s21], $0x2000  }
0x98: {  	[sflag:s21] =	ssyncset.done $0x0  }
0x99: {  	[sflag:s21] =	ssyncadd.s32 $0xFFFFE000  }
0x9a: {  	_ =	swait.ge [sflag:s23], $0x400  }
0x9b: {  	[sflag:s23] =	ssyncset.done $0x0  }
0x9c: {  	s13 =	simm.s32 $0x10400;
	[sflag:s23] =	ssyncadd.s32 $0xFFFFFC00  }
0x9d: {  	[spmem:s7] =	stream.linear.scatter [tilespmem:s13], [sflag:$0xB], $0x2000, $0x38;
	[tilespmem:$0x1E400] =	vst v63  }
0x9e: {  	_ =	swait.ge [sflag:s3], $0x2000  }
0x9f: {  	[sflag:s3] =	ssyncset.done $0x0;
	s14 =	rddreg [dreg:$0x9]  }
0xa0: {  	[sflag:s3] =	ssyncadd.s32 $0xFFFFE000;
	s0 =	sadd.s32 s11, s14  }
0xa1: {  	[hbm:s0], [sflag:s15] =	dma.local [spmem:s16], $0x400  }
0xa2: {  	s1 =	simm.s32 @!p0 $0x10400;
	s0 =	sadd.s32 @!p0 $0x680, s28  }
0xa3: {  	[tilespmem:s1], [sflag:$0x7] =	stream.indirect.gather @!p0 [hbm4b:s4+s5], $0x40, s0, s5, $0xb8;
	[tilespmem:$0x1E400] =	vst v63  }
0xa4: {  	_ =	swait.ge [sflag:s22], $0x2000  }
0xa5: {  	[sflag:s22] =	ssyncset.done $0x0  }
0xa6: {  	[sflag:s22] =	ssyncadd.s32 $0xFFFFE000  }
0xa7: {  	_ =	swait.ge [sflag:s10], $0x400  }
0xa8: {  	[sflag:s10] =	ssyncset.done $0x0  }
0xa9: {  	s15 =	simm.s32 $0x12400;
	[sflag:s10] =	ssyncadd.s32 $0xFFFFFC00  }
0xaa: {  	[spmem:s8] =	stream.linear.scatter [tilespmem:s15], [sflag:$0xC], $0x2000, $0x38;
	[tilespmem:$0x1E400] =	vst v63  }
0xab: {  	_ =	swait.ge [sflag:s19], $0x2000  }
0xac: {  	[sflag:s19] =	ssyncset.done $0x0;
	s16 =	rddreg [dreg:$0x8]  }
0xad: {  	[sflag:s19] =	ssyncadd.s32 $0xFFFFE000;
	s0 =	sadd.s32 s11, s16  }
0xae: {  	[hbm:s0], [sflag:s18] =	dma.local [spmem:s25], $0x400  }
0xaf: {  	s1 =	simm.s32 @!p0 $0x12400;
	s0 =	sadd.s32 @!p0 $0x700, s28  }
0xb0: {  	[tilespmem:s1], [sflag:$0x8] =	stream.indirect.gather @!p0 [hbm4b:s4+s5], $0x40, s0, s5, $0xb8;
	[tilespmem:$0x1E400] =	vst v63  }
0xb1: {  	_ =	swait.ge [sflag:s24], $0x2000  }
0xb2: {  	[sflag:s24] =	ssyncset.done $0x0  }
0xb3: {  	[sflag:s24] =	ssyncadd.s32 $0xFFFFE000  }
0xb4: {  	_ =	swait.ge [sflag:s26], $0x400  }
0xb5: {  	[sflag:s26] =	ssyncset.done $0x0  }
0xb6: {  	s13 =	simm.s32 $0x14400;
	[sflag:s26] =	ssyncadd.s32 $0xFFFFFC00  }
0xb7: {  	[spmem:s9] =	stream.linear.scatter [tilespmem:s13], [sflag:$0xD], $0x2000, $0x38;
	[tilespmem:$0x1E400] =	vst v63  }
.Ltmp11:
0xb8: {  	_ = 	snop;
	(pc) =	sbr.rel @p0 .LBB2_16-.Ltmp11, $4  }
0xb9: {  	_ =	swait.ge [sflag:s29], $0x2000  }
0xba: {  	[sflag:s29] =	ssyncset.done $0x0;
	s28 =	rddreg [dreg:$0x7]  }
0xbb: {  	[sflag:s29] =	ssyncadd.s32 $0xFFFFE000;
	s0 =	sadd.s32 s11, s28  }
0xbc: {  	[hbm:s0], [sflag:s17] =	dma.local [spmem:s20], $0x400  }
.Ltmp12:
0xbd: {  	(pc) =	sbr.rel .LBB2_2-.Ltmp12, $4  }
0xbe: {  	s0 =	sshra.s32 s12, $0x2;
	s5 =	simm.s32 $0x80  }
0xbf: {  	s12 =	sadd.s32 $0x1000, s12;
	s11 =	sadd.s32 $0x2000, s11;
	s16 =	simm.s32 $0x6400  }
0xc0: {  	s20 =	simm.s32 $0x8400;
	s28 =	simm.s32 $0xA400;
	s0 =	sadd.s32 $0x780, s0  }
0xc1: {  	[tilespmem:s13], [sflag:$0x9] =	stream.indirect.gather [hbm4b:s4+s5], $0x40, s0, s5, $0xb8;
	[tilespmem:$0x1E400] =	vst v63  }
.LBB2_17:
0xc2: {  	_ =	sfence.sel $0x180000  }
0xc3: {  	[bflag:$0x0] =	sbarrier.arrive $0xFFFF  }
0xc4: {  	_ =	strace $0x90000047  }
0xc5: {  	s0 =	stileid.u32;
	[bflag:$0x2] =	sbarrier.arrive $0xFFFF  }
0xc6: {  	p0 =	sne.s32 s0, $0x0;
	s0 =	rddreg [dreg:$0x3]  }
0xc7: {  	s0 =	sadd.s32 @!p0 $0x100000, s0  }
0xc8: {  	[sflag:s0] =	ssyncadd.tile.s32 @!p0 $0x1;
	_ =	shalt  }
.Lfunc_end2:
_tile_overlayer_lowered:
.L_overlay_start_2:
0xc9: {  	(tag) =	ssettag $0x2  }
0xca: {  	s0 =	rddreg [dreg:$0x0];
	s2 =	stileid.u32  }
0xcb: {  	s1 =	rddreg [dreg:$0x1];
	p0 =	sne.s32 s2, $0x0  }
0xcc: {  	s3 =	rddreg [dreg:$0x2];
	[bflag:$0x3] =	sbarrier.arrive $0xFFFF;
	s2 =	simm.s32 @!p0 $0x1C12  }
0xcd: {  	[timem:s3], [sflag:s2] =	dma.local @!p0 [hbm:s0], s1  }
0xce: {  	s0 =	simm.s32 @!p0 $0x12  }
0xcf: {  	_ =	swait.ge @!p0 [sflag:s0], s1  }
0xd0: {  	s1 =	ssub.s32 @!p0 $0x0, s1;
	[sflag:s0] =	ssyncset.done @!p0 $0x0  }
0xd1: {  	[sflag:s0] =	ssyncadd.s32 @!p0 s1  }
0xd2: {  	[bflag:$0x3] =	sbarrier.arrive $0xFFFF  }
0xd3: {  	_ =	shalt  }

// kernel: sparse-core-data-format-call.cloned.1.call-start
scs
called_computation_lowered:
.L_overlay_start_0:
0x0: {  	s2 =	sld [smem:$0x3FD9]  }
0x1: {  	s3 =	sld [smem:$0x3FFE];
	_ =	sdelay $0x1  }
0x2: {  	s1 =	srdreg.scid  }
0x3: {  	s0 =	sand.u32 $0x1, s1  }
0x4: {  	s18 =	sshll.u32 s0, $0xA;
	s2 =	sadd.s32 s3, s2  }
0x5: {  	s2 =	sadd.s32 s2, s18  }
0x6: {  	[smem:$0x3FC6] =	sst s2  }
0x7: {  	_ = 	snop  }
0x8: {  	s2 =	sld [smem:$0x3FD0];
	(tm) =	ssettm $0x1  }
0x9: {  	s19 =	sld [smem:$0x3FFB];
	_ =	sdelay $0x3  }
0xa: {  	_ =	strace s19  }
0xb: {  	s3 =	sld [smem:$0x3FFC];
	_ =	sdelay $0x3  }
0xc: {  	_ =	strace s3  }
0xd: {  	s3 =	sld [smem:$0x3FFD];
	_ =	sdelay $0x3  }
0xe: {  	_ =	strace s3  }
0xf: {  	_ =	strace $0x8FFFFFFF  }
0x10: {  	s20 =	sld [smem:$0x3FDB];
	_ =	sdelay $0x1  }
0x11: {  	s4 =	simm.s32 $_scs_section_size  }
0x12: {  	s5 =	simm.s32 $_size__tile_overlayer_lowered;
	s6 =	simm.s32 $_tile_overlayer_lowered  }
0x13: {  	s23 =	simm.s32 $0x1BFF;
	s22 =	sshll.u32 s6, $0x1;
	s3 =	sadd.s32 s4, s20  }
0x14: {  	s7 =	simm.s32 $0x0;
	s21 =	sshll.u32 s5, $0x1;
	s5 =	sadd.s32 s22, s3  }
0x15: {  	[timem:s7], [sflag:s23] =	dma.local [hbm:s5], s21  }
0x16: {  	_ =	swait.ge [sflag:s23], s21  }
0x17: {  	s4 =	ssub.s32 $0x0, s21;
	[sflag:s23] =	ssyncset.done $0x0  }
0x18: {  	[sflag:s23] =	ssyncadd.s32 s4;
	_ =	sdelay $0x1  }
0x19: {  	s24 =	simm.s32 $0x1B8B  }
0x1a: {  	_ =	swait.ge [sflag:s24], $0x1  }
0x1b: {  	[sflag:s24] =	ssyncset.done $0x0  }
0x1c: {  	s26 =	simm.s32 $0x1B8E;
	s25 =	sld [smem:$0x3FFE];
	[sflag:s24] =	ssyncadd.s32 $0xFFFFFFFF  }
0x1d: {  	s27 =	simm.s32 $execute0_lowered;
	[smem:$0x3FD2] =	sst s26  }
0x1e: {  	s5 =	sshll.u32 s27, $0x1;
	_ =	strace $0x80000049;
	[dreg:$0x1] =	wrdreg $0xFFFFFFFF  }
0x1f: {  	s28 =	simm.s32 $_size_execute0_lowered;
	s3 =	sadd.s32 s3, s5;
	[dreg:$0x0] =	wrdreg $0x0  }
0x20: {  	s5 =	sshll.u32 s28, $0x1;
	[dreg:$0x2] =	wrdreg s3  }
0x21: {  	[dreg:$0x3] =	wrdreg s5  }
0x22: {  	[dreg:$0x4] =	wrdreg $0xC0  }
0x23: {  	_ =	task [dreg:s7], $0x5FFFF  }
0x24: {  	[dreg:$0x1] =	wrdreg $0xFFFFFFFF  }
0x25: {  	[dreg:$0x0] =	wrdreg $0x60  }
0x26: {  	[dreg:$0x2] =	wrdreg s25  }
0x27: {  	[dreg:$0x3] =	wrdreg s2  }
0x28: {  	[dreg:$0x4] =	wrdreg $0x9  }
0x29: {  	_ =	task.clear_ibuf [dreg:s7], $0x5FFFF;
	_ =	strace $0x90000049  }
0x2a: {  	s29 =	simm.s32 $0x9;
	_ =	strace $0x8000004B  }
0x2b: {  	_ =	swait.ge [sflag:s29], $0x1  }
0x2c: {  	[sflag:s29] =	ssyncadd.s32 $0xFFFFFFFF  }
0x2d: {  	_ =	strace $0x9000004B  }
0x2e: {  	_ =	sfence  }
0x2f: {  	s30 =	sld [smem:$0x0];
	_ =	sdelay $0x2  }
0x30: {  	s31 =	sshll.u32 s1, $0xD;
	s1 =	sshrl.u32 s1, $0x2  }
0x31: {  	s3 =	sand.u32 $0x4000, s31;
	s1 =	sadd.s32 s1, s30  }
0x32: {  	s0 =	sor.u32 s3, s0;
	s1 =	sshll.u32 s1, $0x11  }
0x33: {  	s0 =	sor.u32 s1, s0  }
0x34: {  	s0 =	sadd.s32 $0x8F2B, s0  }
0x35: {  	[sflag:s0] =	ssyncadd.remote.s32 $0x1  }
0x36: {  	_ =	sfence.sel $0xFFFF  }
0x37: {  	[dreg:$0x0] =	wrdreg $0xFFFFFFFF;
	(pc) =	sbr.abs _section_cstart, $3  }
0x38: {  	[dreg:$0x1] =	wrdreg $0xFFFFFFFF  }
0x39: {  	_ =	task.clear_ibuf [dreg:s7], $0x2FFFF;
	_ =	strace $0x9FFFFFFF  }
0x3a: {  	(tm) =	ssettm $0x7FFFFFFF  }
0x3b: {  	_ =	shalt  }
tec
execute0_lowered:
.L_overlay_start_1:
0x0: {  	(tag) =	ssettag $0x1  }
0x1: {  	s0 =	srdreg.scid  }
0x2: {  	s1 =	sshll.u32 s0, $0x4  }
0x3: {  	s0 =	stileid.u32;
	s1 =	sand.u32 $0x10, s1  }
0x4: {  	s1 =	sor.u32 s0, s1  }
0x5: {  	s6 =	rddreg [dreg:$0x0];
	s4 =	simm.s32 $0x1;
	s2 =	sshll.u32 s1, $0x7  }
0x6: {  	s7 =	simm.s32 $0x2;
	s12 =	simm.s32 $0x0;
	s1 =	ssub.s32 $0x4000, s2  }
0x7: {  	s8 =	simm.s32 $0x20000;
	s13 =	simm.s32 $0x0;
	s3 =	sand.u32 $0xF80, s1  }
0x8: {  	s9 =	simm.s32 $0x0;
	s5 =	sshrl.u32 s1, $0xC;
	p0 =	sne.s32 s3, $0x0  }
.Ltmp0:
0x9: {  	s1 =	rddreg [dreg:$0x2];
	s4 =	simm.s32 @!p0 $0x0;
	(pc) =	sbr.rel .LBB1_1-.Ltmp0, $4  }
0xa: {  	s11 =	simm.s32 $0x0;
	s3 =	rddreg [dreg:$0x1];
	s5 =	sadd.s32 s4, s5  }
0xb: {  	_ =	strace $0x8000004A;
	s4 =	simm.s32 $0x1;
	s5 =	smul.u32 $0x32, s5  }
0xc: {  	s6 =	sadd.s32 $0xA00, s6;
	s10 =	smov.u32 s2;
	[sflag:s4] =	ssyncpa.u1 $0x0  }
0xd: {  	p0 =	por $0x0, $0x0;
	[sflag:s7] =	ssyncpa.u1 $0x0;
	s7 =	sor.u32 $0x1, s5  }
.LBB1_4:
0xe: {  	s16 =	sshll.u32 s13, $0x3;
	s17 =	sand.u32 $0x78, s13  }
0xf: {  	s30 =	sand.u32 $0x1F800, s13;
	s12 =	sshll.u32 s12, $0x11;
	s16 =	sand.u32 $0x3C00, s16  }
0x10: {  	[tilespmem:s15+$0x810 ss:$0x81] =	vst.msk $0xffff, v2;
	s31 =	sand.u32 $0x7, s13;
	s16 =	sor.u32 s17, s16;
	s17 =	sadd.s32 s3, s30  }
0x11: {  	[tilespmem:s15+$0x1020 ss:$0x81] =	vst.msk $0xffff, v0;
	s13 =	sshll.u32 s31, $0x12;
	s12 =	sadd.s32 s12, s17;
	s16 =	sshrl.u32 s16, $0x3  }
0x12: {  	[tilespmem:s15+$0x0 ss:$0x81] =	vst.msk $0xffff, v1;
	s13 =	sor.u32 $0x400, s13;
	s12 =	sadd.s32 s16, s12  }
0x13: {  	[hbm4b:s12+s13] =	stream.strided.scatter [tilespmem:s14], [sflag:$0x2], $0x2000, s8, s13, $0x20;
	[tilespmem:$0x8080] =	vst v63  }
.LBB1_5:
0x14: {  	s14 =	sadd.s32 $0x1, s9  }
0x15: {  	s12 =	sadd.s32 $0x1000, s10;
	s16 =	smov.u32 s10;
	p2 =	sgt.s32 s14, $0x31  }
0x16: {  	s16 =	smov.u32 @p2 s12  }
0x17: {  	s14 =	simm.s32 @p2 $0x0;
	p2 =	sgt.s32 s16, $0x3FFF  }
0x18: {  	s16 =	smov.u32 @p2 s2;
	p2 =	sne.s32 s11, s7  }
.Ltmp1:
0x19: {  	p1 =	slt.u32 s11, $0x2;
	(pc) =	sbr.rel @!p2 .LBB1_6-.Ltmp1, $4  }
0x1a: {  	s15 =	simm.s32 @!p1 $0x2  }
0x1b: {  	s13 =	smov.u32 s10;
	p0 =	por !p0, !p0;
	_ =	swait.ge @!p1 [sflag:s15], $0x2000  }
0x1c: {  	s12 =	smov.u32 s9;
	[sflag:s15] =	ssyncset.done @!p1 $0x0;
	s9 =	smov.u32 s14  }
0x1d: {  	s11 =	sadd.s32 $0x1, s11;
	[sflag:s15] =	ssyncadd.s32 @!p1 $0xFFFFE000;
	s10 =	smov.u32 s16  }
.LBB1_1:
0x1e: {  	p1 =	sge.u32 s11, s5  }
0x1f: {  	s14 =	sand.u32 @!p1 $0x1FFFFFF, s9  }
0x20: {  	s15 =	smulhi.u32 @!p1 $0x4924925, s14;
	_ =	sdelay $0x1  }
0x21: {  	s15 =	smul.u32 @!p1 $0x38, s15  }
0x22: {  	s16 =	sxor.u32 @!p1 $0xFFFFFFFF, s11;
	s17 =	smul.u32 @!p1 $0x380, s10  }
0x23: {  	s31 =	sadd.s32 $0xFFFFFFFF, s11;
	s16 =	sshll.u32 @!p1 s16, $0xD;
	s14 =	ssub.s32 @!p1 s14, s15  }
0x24: {  	s15 =	sand.u32 @!p1 $0x2000, s16;
	s16 =	sadd.s32 @!p1 s6, s17;
	s14 =	sshll.u32 @!p1 s14, $0x4  }
0x25: {  	s17 =	simm.s32 @!p1 $0x1C00;
	s14 =	sadd.s32 @!p1 s14, s16;
	s16 =	simm.s32 @!p1 $0x40  }
0x26: {  	[tilespmem:s15], [sflag:$0x1] =	stream.strided.gather @!p1 [hbm4b:s14+s16], $0x2000, s17, s16, $0x38;
	[tilespmem:$0x8080] =	vst v63  }
0x27: {  	p1 =	sge.u32 s31, s5  }
.Ltmp2:
0x28: {  	_ = 	snop;
	(pc) =	sbr.rel @p1 .LBB1_5-.Ltmp2, $1  }
0x29: {  	_ =	sdelay $0x3  }
0x2a: {  	s14 =	simm.s32 $0x1  }
0x2b: {  	_ =	swait.ge [sflag:s4], $0x2000;
	s14 =	simm.s32 @!p0 $0x0  }
0x2c: {  	[sflag:s4] =	ssyncset.done $0x0;
	s15 =	sshll.u32 s14, $0xD  }
0x2d: {  	[sflag:s4] =	ssyncadd.s32 $0xFFFFE000;
	s18 =	sor.u32 $0x20, s15  }
0x2e: {  	s14 =	smul.u32 $0x8100, s14;
	v3 =	vld [tilespmem:s18+$0x10]  }
0x2f: {  	s30 =	sand.u32 $0x1, s11;
	v2 =	vld [tilespmem:s18+$0xFFFFFFF0]  }
0x30: {  	s15 =	smul.u32 $0x8100, s30;
	s14 =	sshrl.u32 s14, $0x2;
	v0 =	vld [tilespmem:s18+$0x0]  }
0x31: {  	v1 =	vld [tilespmem:s18+$0xFFFFFFE0];
	s16 =	sor.u32 $0x4000, s14  }
0x32: {  	s31 =	sshrl.u32 s15, $0x2;
	s15 =	sadd.s32 $0x0, s16  }
0x33: {  	s17 =	simm.s32 $0x4;
	s18 =	sadd.s32 $0x40, s18;
	s14 =	sor.u32 $0x4000, s31;
	[tilespmem:s15+$0x1830 ss:$0x81] =	vst.msk $0xffff, v3  }
.LBB1_3:
0x34: {  	v3 =	vld [tilespmem:s18+$0x10];
	p1 =	sne.s32 s17, $0x1FC;
	[tilespmem:s15+$0x810 ss:$0x81] =	vst.msk $0xffff, v2;
	s19 =	smov.u32 s17;
	s17 =	sadd.s32 $0x4, s17  }
.Ltmp3:
0x35: {  	v2 =	vld [tilespmem:s18+$0xFFFFFFF0];
	[tilespmem:s15+$0x1020 ss:$0x81] =	vst.msk $0xffff, v0;
	(pc) =	sbr.rel @p1 .LBB1_3-.Ltmp3, $4  }
0x36: {  	v0 =	vld [tilespmem:s18+$0x0];
	[tilespmem:s15+$0x0 ss:$0x81] =	vst.msk $0xffff, v1  }
0x37: {  	s15 =	sshra.s32 s19, $0x2;
	v1 =	vld [tilespmem:s18+$0xFFFFFFE0]  }
0x38: {  	s15 =	sadd.s32 s15, s16  }
0x39: {  	s18 =	sadd.s32 $0x40, s18;
	[tilespmem:s15+$0x1830 ss:$0x81] =	vst.msk $0xffff, v3  }
.Ltmp4:
0x3a: {  	_ = 	snop;
	(pc) =	sbr.rel .LBB1_4-.Ltmp4, $1  }
0x3b: {  	_ =	sdelay $0x3  }
.LBB1_6:
0x3c: {  	_ =	sfence.sel $0x180000  }
0x3d: {  	s2 =	simm.s32 $0x1;
	[bflag:$0x0] =	sbarrier.arrive $0xFFFF  }
0x3e: {  	s31 =	simm.s32 $0x2;
	[sflag:s2] =	ssyncpa.u1 $0x1  }
0x3f: {  	[sflag:s31] =	ssyncpa.u1 $0x1  }
0x40: {  	p0 =	sne.s32 s0, $0x0;
	_ =	strace $0x9000004A  }
0x41: {  	s0 =	sadd.s32 @!p0 $0x100000, s1;
	[bflag:$0x2] =	sbarrier.arrive $0xFFFF  }
0x42: {  	[sflag:s0] =	ssyncadd.tile.s32 @!p0 $0x1;
	_ =	shalt  }
.Lfunc_end1:
_tile_overlayer_lowered:
.L_overlay_start_2:
0x43: {  	(tag) =	ssettag $0x2  }
0x44: {  	s0 =	rddreg [dreg:$0x0];
	s2 =	stileid.u32  }
0x45: {  	s1 =	rddreg [dreg:$0x1];
	p0 =	sne.s32 s2, $0x0  }
0x46: {  	s3 =	rddreg [dreg:$0x2];
	[bflag:$0x3] =	sbarrier.arrive $0xFFFF;
	s2 =	simm.s32 @!p0 $0x1C01  }
0x47: {  	[timem:s3], [sflag:s2] =	dma.local @!p0 [hbm:s0], s1  }
0x48: {  	s0 =	simm.s32 @!p0 $0x1  }
0x49: {  	_ =	swait.ge @!p0 [sflag:s0], s1  }
0x4a: {  	s1 =	ssub.s32 @!p0 $0x0, s1;
	[sflag:s0] =	ssyncset.done @!p0 $0x0  }
0x4b: {  	[sflag:s0] =	ssyncadd.s32 @!p0 s1  }
0x4c: {  	[bflag:$0x3] =	sbarrier.arrive $0xFFFF  }
0x4d: {  	_ =	shalt  }

</sc_bundles>
